<compile_context>
chip_gen: v7x
topology: tpu7x:2x2x1
jax: 0.10.2.dev20260603
libtpu: 0.0.44.dev20260713+nightly
codegen_flags: <defaults>
</compile_context>

<pallas_src>
import functools

import jax
import jax.numpy as jnp
from jax import lax
from jax.experimental import pallas as pl
from jax.experimental.pallas import tpu as pltpu
from jax.experimental.pallas import tpu_sc as plsc

_V = 100000
_D = 64
_SEQ = 8192
_CHUNK = 2048


@functools.lru_cache(maxsize=None)
def _build(nbatch: int):
    info = plsc.get_sparse_core_info()
    nc, ns = info.num_cores, info.num_subcores
    nw = nc * ns
    d_per_w = _D // nw
    n_chunks = nbatch * _SEQ // _CHUNK
    mesh = plsc.VectorSubcoreMesh(core_axis_name="c", subcore_axis_name="s")

    @functools.partial(
        pl.kernel,
        mesh=mesh,
        compiler_params=pltpu.CompilerParams(
            use_tc_tiling_on_sc=True, needs_layout_passes=False),
        out_type=jax.ShapeDtypeStruct((nbatch, _D, _SEQ), jnp.float32),
        scratch_types=[
            pltpu.VMEM((_V,), jnp.float32),
            pltpu.VMEM((2, _CHUNK), jnp.int32),
            pltpu.VMEM((2, _CHUNK), jnp.float32),
            pltpu.VMEM((16,), jnp.float32),
            pltpu.SemaphoreType.DMA((2,)),
            pltpu.SemaphoreType.DMA((2,)),
        ],
    )
    def k(idx_hbm, tblt_hbm, scale_hbm, out_hbm, tbl_v, idx_v, stage_v,
          scale_v, idx_sem, out_sem):
        wid = lax.axis_index("s") * nc + lax.axis_index("c")
        pltpu.sync_copy(scale_hbm, scale_v)
        sv = scale_v[...]

        def idx_copy(u, s):
            return pltpu.make_async_copy(
                idx_hbm.at[pl.ds(u * _CHUNK, _CHUNK)],
                idx_v.at[s], idx_sem.at[s])

        def out_copy(u, c, s):
            return pltpu.make_async_copy(
                stage_v.at[s],
                out_hbm.at[u // 4, c, pl.ds((u % 4) * _CHUNK, _CHUNK)],
                out_sem.at[s])

        for f in range(d_per_w):
            c = wid * d_per_w + f
            pltpu.sync_copy(tblt_hbm.at[c], tbl_v)
            idx_copy(0, 0).start()

            def pair(t, carry):
                for s in range(2):
                    u = 2 * t + s

                    @pl.when(u + 1 < n_chunks)
                    def _():
                        idx_copy(u + 1, 1 - s).start()

                    idx_copy(u, s).wait()

                    @pl.when(u >= 2)
                    def _():
                        out_copy(u - 2, c, s).wait()

                    @plsc.parallel_loop(0, _CHUNK, 16, unroll=8)
                    def g(o):
                        iv = idx_v[s, pl.ds(o, 16)]
                        stage_v[s, pl.ds(o, 16)] = (
                            plsc.load_gather(tbl_v, [iv]) * sv)
                    out_copy(u, c, s).start()
                return carry

            lax.fori_loop(0, n_chunks // 2, pair, 0)
            for s in range(2):
                out_copy(n_chunks - 2 + s, c, s).wait()

    return k


def kernel(token_ids, embed_weight, scale):
    nbatch, seq = token_ids.shape
    idx = token_ids.reshape(-1).astype(jnp.int32)
    scale_vec = jnp.broadcast_to(scale.astype(jnp.float32), (16,))
    out_t = _build(nbatch)(idx, embed_weight.T, scale_vec)
    return out_t.transpose(0, 2, 1)

# --- scband reference (transcript-rebuilt; emitter-appended) ---
"""Pipeline reference for scband-value-embedding-72868415144563 (READ-ONLY COPY).

The authoritative reference and input builder live on the scoring server;
editing this copy changes nothing except your own understanding.
"""

import jax, jax.numpy as jnp
import numpy as np

VOCAB_SIZE = 100000
VE_DIM = 64
MODEL_DIM = 64


def setup_inputs(seed: int = 0) -> dict:
    key = jax.random.key(seed)
    k_tok, k_emb = jax.random.split(key, 2)
    token_ids = jax.random.randint(k_tok, (4, 8192), 0, VOCAB_SIZE, dtype=jnp.int64 if jax.config.jax_enable_x64 else jnp.int32)
    # nn.Embedding weight, init normal std=0.01
    embed_weight = jax.random.normal(k_emb, (VOCAB_SIZE, VE_DIM), dtype=jnp.float32) * 0.01
    # scale parameter initialized to 0.1
    scale = jnp.array(0.1, dtype=jnp.float32)
    # ve_dim == model_dim so proj is None in the torch module
    return {"token_ids": token_ids, "embed_weight": embed_weight, "scale": scale}


def reference(token_ids, embed_weight, scale):
    # ValueEmbedding.forward: B = embed(token_ids); (proj is None since ve_dim == model_dim); return B * scale
    out = jnp.take(embed_weight, token_ids, axis=0)
    return out * scale.astype(out.dtype)

if __name__ == "__main__":
    import jax
    _d = setup_inputs()
    print(jax.jit(kernel)(*tuple(_d.values())))

</pallas_src>

<mosaic_0001>
#map = affine_map<(d0, d1) -> (0)>
#map1 = affine_map<(d0, d1) -> (0, 0)>
#map2 = affine_map<(d0, d1) -> (0, 0, 0)>
module attributes {stable_mosaic.version = 14 : i64} {
  func.func @k(%arg0: i32, %arg1: i32, %arg2: memref<32768xi32, #tpu.memory_space<hbm>>, %arg3: memref<64x100000xf32, #tpu.memory_space<hbm>>, %arg4: memref<16xf32, #tpu.memory_space<hbm>>, %arg5: memref<4x64x8192xf32, #tpu.memory_space<hbm>>, %arg6: memref<100000xf32, #tpu.memory_space<vmem>>, %arg7: memref<2x2048xi32, #tpu.memory_space<vmem>>, %arg8: memref<2x2048xf32, #tpu.memory_space<vmem>>, %arg9: memref<16xf32, #tpu.memory_space<vmem>>, %arg10: memref<2x!tpu.dma_semaphore, #tpu.memory_space<semaphore_mem>>, %arg11: memref<2x!tpu.dma_semaphore, #tpu.memory_space<semaphore_mem>>) attributes {dimension_semantics = [#tpu.dimension_semantics<core_parallel>, #tpu.dimension_semantics<subcore_parallel>], iteration_bounds = array<i64: 2, 16>, scalar_prefetch = 0 : i64, scratch_operands = 6 : i64, tpu.core_type = #tpu.core_type<sc_vector_subcore>, window_params = [{transform_indices = #map}, {transform_indices = #map1}, {transform_indices = #map}, {transform_indices = #map2}]} {
    %mul3A = arith.constant 2 : i32
    %mul3A_0 = arith.muli %arg1, %mul3A : i32
    %add3A = arith.addi %mul3A_0, %arg0 : i32
    "tpu.region"() ({
      %run_scoped3A = tpu.sem_alloc : memref<!tpu.dma_semaphore, #tpu.memory_space<semaphore_mem>>
      tpu.enqueue_dma source(%arg4 : memref<16xf32, #tpu.memory_space<hbm>>) target(%arg9 : memref<16xf32, #tpu.memory_space<vmem>>) target_semaphore(%run_scoped3A : memref<!tpu.dma_semaphore, #tpu.memory_space<semaphore_mem>>)
      tpu.wait_dma2 semaphore(%run_scoped3A : memref<!tpu.dma_semaphore, #tpu.memory_space<semaphore_mem>>) src(%arg4 : memref<16xf32, #tpu.memory_space<hbm>>) dst(%arg9 : memref<16xf32, #tpu.memory_space<vmem>>)
      tpu.yield
    }) : () -> ()
    %get3A = arith.constant 0 : index
    %get3A_1 = tpu.vector_load %arg9[%get3A] {strides = array<i32>} : memref<16xf32, #tpu.memory_space<vmem>>, vector<16xf32>,
    %mul3A_2 = arith.constant 2 : i32
    %mul3A_3 = arith.muli %add3A, %mul3A_2 : i32
    %add3A_4 = arith.constant 0 : i32
    %add3A_5 = arith.addi %mul3A_3, %add3A_4 : i32
    "tpu.region"() ({
      %run_scoped3A = tpu.sem_alloc : memref<!tpu.dma_semaphore, #tpu.memory_space<semaphore_mem>>
      %dma_start3A_115 = arith.constant 0 : i32
      %dma_start3A_116 = tpu.memref_slice %arg3[%add3A_5, %dma_start3A_115] : memref<64x100000xf32, #tpu.memory_space<hbm>> -> memref<1x100000xf32, #tpu.memory_space<hbm>>
      %dma_start3A_117 = tpu.memref_squeeze %dma_start3A_116 : memref<1x100000xf32, #tpu.memory_space<hbm>> -> memref<100000xf32, #tpu.memory_space<hbm>>
      %dma_start3A_118 = arith.constant 0 : i32
      %dma_start3A_119 = tpu.memref_slice %arg3[%add3A_5, %dma_start3A_118] : memref<64x100000xf32, #tpu.memory_space<hbm>> -> memref<1x100000xf32, #tpu.memory_space<hbm>>
      %dma_start3A_120 = tpu.memref_squeeze %dma_start3A_119 : memref<1x100000xf32, #tpu.memory_space<hbm>> -> memref<100000xf32, #tpu.memory_space<hbm>>
      tpu.enqueue_dma source(%dma_start3A_120 : memref<100000xf32, #tpu.memory_space<hbm>>) target(%arg6 : memref<100000xf32, #tpu.memory_space<vmem>>) target_semaphore(%run_scoped3A : memref<!tpu.dma_semaphore, #tpu.memory_space<semaphore_mem>>)
      %dma_wait3A_121 = arith.constant 0 : i32
      %dma_wait3A_122 = tpu.memref_slice %arg3[%add3A_5, %dma_wait3A_121] : memref<64x100000xf32, #tpu.memory_space<hbm>> -> memref<1x100000xf32, #tpu.memory_space<hbm>>
      %dma_wait3A_123 = tpu.memref_squeeze %dma_wait3A_122 : memref<1x100000xf32, #tpu.memory_space<hbm>> -> memref<100000xf32, #tpu.memory_space<hbm>>
      %dma_wait3A_124 = arith.constant 0 : i32
      %dma_wait3A_125 = tpu.memref_slice %arg3[%add3A_5, %dma_wait3A_124] : memref<64x100000xf32, #tpu.memory_space<hbm>> -> memref<1x100000xf32, #tpu.memory_space<hbm>>
      %dma_wait3A_126 = tpu.memref_squeeze %dma_wait3A_125 : memref<1x100000xf32, #tpu.memory_space<hbm>> -> memref<100000xf32, #tpu.memory_space<hbm>>
      tpu.wait_dma2 semaphore(%run_scoped3A : memref<!tpu.dma_semaphore, #tpu.memory_space<semaphore_mem>>) src(%dma_wait3A_126 : memref<100000xf32, #tpu.memory_space<hbm>>) dst(%arg6 : memref<100000xf32, #tpu.memory_space<vmem>>)
      tpu.yield
    }) : () -> ()
    %dma_start3A = arith.constant 0 : i32
    %dma_start3A_6 = arith.constant 0 : i32
    %dma_start3A_7 = arith.constant 0 : i32
    %dma_start3A_8 = tpu.memref_slice %arg7[%dma_start3A, %dma_start3A_7] : memref<2x2048xi32, #tpu.memory_space<vmem>> -> memref<1x2048xi32, #tpu.memory_space<vmem>>
    %dma_start3A_9 = tpu.memref_squeeze %dma_start3A_8 : memref<1x2048xi32, #tpu.memory_space<vmem>> -> memref<2048xi32, #tpu.memory_space<vmem>>
    %dma_start3A_10 = arith.constant 0 : i32
    %dma_start3A_11 = tpu.memref_slice %arg2[%dma_start3A_10] : memref<32768xi32, #tpu.memory_space<hbm>> -> memref<2048xi32, #tpu.memory_space<hbm>>
    %dma_start3A_12 = tpu.memref_slice %arg10[%dma_start3A_6] : memref<2x!tpu.dma_semaphore, #tpu.memory_space<semaphore_mem>> -> memref<1x!tpu.dma_semaphore, #tpu.memory_space<semaphore_mem>>
    %dma_start3A_13 = tpu.memref_squeeze %dma_start3A_12 : memref<1x!tpu.dma_semaphore, #tpu.memory_space<semaphore_mem>> -> memref<!tpu.dma_semaphore, #tpu.memory_space<semaphore_mem>>
    %dma_start3A_14 = arith.constant 0 : i32
    %dma_start3A_15 = tpu.memref_slice %arg7[%dma_start3A, %dma_start3A_14] : memref<2x2048xi32, #tpu.memory_space<vmem>> -> memref<1x2048xi32, #tpu.memory_space<vmem>>
    %dma_start3A_16 = tpu.memref_squeeze %dma_start3A_15 : memref<1x2048xi32, #tpu.memory_space<vmem>> -> memref<2048xi32, #tpu.memory_space<vmem>>
    %dma_start3A_17 = arith.constant 0 : i32
    %dma_start3A_18 = tpu.memref_slice %arg2[%dma_start3A_17] : memref<32768xi32, #tpu.memory_space<hbm>> -> memref<2048xi32, #tpu.memory_space<hbm>>
    tpu.enqueue_dma source(%dma_start3A_18 : memref<2048xi32, #tpu.memory_space<hbm>>) target(%dma_start3A_16 : memref<2048xi32, #tpu.memory_space<vmem>>) target_semaphore(%dma_start3A_13 : memref<!tpu.dma_semaphore, #tpu.memory_space<semaphore_mem>>)
    %scan3A = arith.constant 0 : i32
    %scan3A_19 = arith.constant 0 : i32
    %scan3A_20 = arith.constant 8 : i32
    %scan3A_21 = arith.addi %scan3A_19, %scan3A_20 : i32
    %scan3A_22 = arith.constant 1 : i32
    scf.for %scan3A_115 = %scan3A_19 to %scan3A_21 step %scan3A_22  : i32 {
      %mul3A_116 = arith.constant 2 : i32
      %mul3A_117 = arith.muli %mul3A_116, %scan3A_115 : i32
      %add3A_118 = arith.constant 0 : i32
      %add3A_119 = arith.addi %mul3A_117, %add3A_118 : i32
      %add3A_120 = arith.constant 1 : i32
      %add3A_121 = arith.addi %add3A_119, %add3A_120 : i32
      %lt3A = arith.constant 16 : i32
      %lt3A_122 = arith.cmpi slt, %add3A_121, %lt3A : i32
      %convert_element_type3A = arith.extui %lt3A_122 : i1 to i32
      %cond3A = arith.constant 0 : i32
      %cond3A_123 = arith.cmpi ne, %convert_element_type3A, %cond3A : i32
      scf.if %cond3A_123 {
        %add3A_280 = arith.constant 1 : i32
        %add3A_281 = arith.addi %add3A_119, %add3A_280 : i32
        %mul3A_282 = arith.constant 2048 : i32
        %mul3A_283 = arith.muli %add3A_281, %mul3A_282 : i32
        %dma_start3A_284 = arith.constant 1 : i32
        %dma_start3A_285 = arith.constant 1 : i32
        %dma_start3A_286 = arith.constant 0 : i32
        %dma_start3A_287 = tpu.memref_slice %arg7[%dma_start3A_284, %dma_start3A_286] : memref<2x2048xi32, #tpu.memory_space<vmem>> -> memref<1x2048xi32, #tpu.memory_space<vmem>>
        %dma_start3A_288 = tpu.memref_squeeze %dma_start3A_287 : memref<1x2048xi32, #tpu.memory_space<vmem>> -> memref<2048xi32, #tpu.memory_space<vmem>>
        %dma_start3A_289 = tpu.memref_slice %arg2[%mul3A_283] : memref<32768xi32, #tpu.memory_space<hbm>> -> memref<2048xi32, #tpu.memory_space<hbm>>
        %dma_start3A_290 = tpu.memref_slice %arg10[%dma_start3A_285] : memref<2x!tpu.dma_semaphore, #tpu.memory_space<semaphore_mem>> -> memref<1x!tpu.dma_semaphore, #tpu.memory_space<semaphore_mem>>
        %dma_start3A_291 = tpu.memref_squeeze %dma_start3A_290 : memref<1x!tpu.dma_semaphore, #tpu.memory_space<semaphore_mem>> -> memref<!tpu.dma_semaphore, #tpu.memory_space<semaphore_mem>>
        %dma_start3A_292 = arith.constant 0 : i32
        %dma_start3A_293 = tpu.memref_slice %arg7[%dma_start3A_284, %dma_start3A_292] : memref<2x2048xi32, #tpu.memory_space<vmem>> -> memref<1x2048xi32, #tpu.memory_space<vmem>>
        %dma_start3A_294 = tpu.memref_squeeze %dma_start3A_293 : memref<1x2048xi32, #tpu.memory_space<vmem>> -> memref<2048xi32, #tpu.memory_space<vmem>>
        %dma_start3A_295 = tpu.memref_slice %arg2[%mul3A_283] : memref<32768xi32, #tpu.memory_space<hbm>> -> memref<2048xi32, #tpu.memory_space<hbm>>
        tpu.enqueue_dma source(%dma_start3A_295 : memref<2048xi32, #tpu.memory_space<hbm>>) target(%dma_start3A_294 : memref<2048xi32, #tpu.memory_space<vmem>>) target_semaphore(%dma_start3A_291 : memref<!tpu.dma_semaphore, #tpu.memory_space<semaphore_mem>>)
      } else {
      }
      %mul3A_124 = arith.constant 2048 : i32
      %mul3A_125 = arith.muli %add3A_119, %mul3A_124 : i32
      %dma_wait3A_126 = arith.constant 0 : i32
      %dma_wait3A_127 = arith.constant 0 : i32
      %dma_wait3A_128 = arith.constant 0 : i32
      %dma_wait3A_129 = tpu.memref_slice %arg7[%dma_wait3A_126, %dma_wait3A_128] : memref<2x2048xi32, #tpu.memory_space<vmem>> -> memref<1x2048xi32, #tpu.memory_space<vmem>>
      %dma_wait3A_130 = tpu.memref_squeeze %dma_wait3A_129 : memref<1x2048xi32, #tpu.memory_space<vmem>> -> memref<2048xi32, #tpu.memory_space<vmem>>
      %dma_wait3A_131 = tpu.memref_slice %arg2[%mul3A_125] : memref<32768xi32, #tpu.memory_space<hbm>> -> memref<2048xi32, #tpu.memory_space<hbm>>
      %dma_wait3A_132 = tpu.memref_slice %arg10[%dma_wait3A_127] : memref<2x!tpu.dma_semaphore, #tpu.memory_space<semaphore_mem>> -> memref<1x!tpu.dma_semaphore, #tpu.memory_space<semaphore_mem>>
      %dma_wait3A_133 = tpu.memref_squeeze %dma_wait3A_132 : memref<1x!tpu.dma_semaphore, #tpu.memory_space<semaphore_mem>> -> memref<!tpu.dma_semaphore, #tpu.memory_space<semaphore_mem>>
      %dma_wait3A_134 = arith.constant 0 : i32
      %dma_wait3A_135 = tpu.memref_slice %arg7[%dma_wait3A_126, %dma_wait3A_134] : memref<2x2048xi32, #tpu.memory_space<vmem>> -> memref<1x2048xi32, #tpu.memory_space<vmem>>
      %dma_wait3A_136 = tpu.memref_squeeze %dma_wait3A_135 : memref<1x2048xi32, #tpu.memory_space<vmem>> -> memref<2048xi32, #tpu.memory_space<vmem>>
      %dma_wait3A_137 = tpu.memref_slice %arg2[%mul3A_125] : memref<32768xi32, #tpu.memory_space<hbm>> -> memref<2048xi32, #tpu.memory_space<hbm>>
      tpu.wait_dma2 semaphore(%dma_wait3A_133 : memref<!tpu.dma_semaphore, #tpu.memory_space<semaphore_mem>>) src(%dma_wait3A_137 : memref<2048xi32, #tpu.memory_space<hbm>>) dst(%dma_wait3A_136 : memref<2048xi32, #tpu.memory_space<vmem>>)
      %ge3A = arith.constant 2 : i32
      %ge3A_138 = arith.cmpi sge, %add3A_119, %ge3A : i32
      %convert_element_type3A_139 = arith.extui %ge3A_138 : i1 to i32
      %cond3A_140 = arith.constant 0 : i32
      %cond3A_141 = arith.cmpi ne, %convert_element_type3A_139, %cond3A_140 : i32
      scf.if %cond3A_141 {
        %sub3A_280 = arith.constant 2 : i32
        %sub3A_281 = arith.subi %add3A_119, %sub3A_280 : i32
        %jit3A_282 = arith.constant 4 : i32
        %div3A_283 = arith.divsi %sub3A_281, %jit3A_282 : i32
        %sign3A_284 = arith.constant 0 : i32
        %sign3A_285 = arith.cmpi sgt, %sub3A_281, %sign3A_284 : i32
        %sign3A_286 = arith.extui %sign3A_285 : i1 to i32
        %sign3A_287 = arith.constant 0 : i32
        %sign3A_288 = arith.cmpi slt, %sub3A_281, %sign3A_287 : i32
        %sign3A_289 = arith.extui %sign3A_288 : i1 to i32
        %sign3A_290 = arith.subi %sign3A_286, %sign3A_289 : i32
        %sign3A_291 = arith.constant 0 : i32
        %sign3A_292 = arith.cmpi sgt, %jit3A_282, %sign3A_291 : i32
        %sign3A_293 = arith.extui %sign3A_292 : i1 to i32
        %sign3A_294 = arith.constant 0 : i32
        %sign3A_295 = arith.cmpi slt, %jit3A_282, %sign3A_294 : i32
        %sign3A_296 = arith.extui %sign3A_295 : i1 to i32
        %sign3A_297 = arith.subi %sign3A_293, %sign3A_296 : i32
        %ne3A_298 = arith.cmpi ne, %sign3A_290, %sign3A_297 : i32
        %rem3A_299 = arith.remsi %sub3A_281, %jit3A_282 : i32
        %ne3A_300 = arith.constant 0 : i32
        %ne3A_301 = arith.cmpi ne, %rem3A_299, %ne3A_300 : i32
        %and3A_302 = arith.andi %ne3A_298, %ne3A_301 : i1
        %sub3A_303 = arith.constant 1 : i32
        %sub3A_304 = arith.subi %div3A_283, %sub3A_303 : i32
        %select_n3A_305 = arith.select %and3A_302, %sub3A_304, %div3A_283 : i32
        %jit3A_306 = arith.constant 4 : i32
        %eq3A_307 = arith.constant 0 : i32
        %eq3A_308 = arith.cmpi eq, %jit3A_306, %eq3A_307 : i32
        %jit3A_309 = arith.constant 1 : i32
        %select_n3A_310 = arith.select %eq3A_308, %jit3A_309, %jit3A_306 : i32
        %rem3A_311 = arith.remsi %sub3A_281, %select_n3A_310 : i32
        %ne3A_312 = arith.constant 0 : i32
        %ne3A_313 = arith.cmpi ne, %rem3A_311, %ne3A_312 : i32
        %lt3A_314 = arith.constant 0 : i32
        %lt3A_315 = arith.cmpi slt, %rem3A_311, %lt3A_314 : i32
        %lt3A_316 = arith.constant 0 : i32
        %lt3A_317 = arith.cmpi slt, %select_n3A_310, %lt3A_316 : i32
        %ne3A_318 = arith.xori %lt3A_315, %lt3A_317 : i1
        %and3A_319 = arith.andi %ne3A_318, %ne3A_313 : i1
        %add3A_320 = arith.addi %rem3A_311, %select_n3A_310 : i32
        %select_n3A_321 = arith.select %and3A_319, %add3A_320, %rem3A_311 : i32
        %mul3A_322 = arith.constant 2048 : i32
        %mul3A_323 = arith.muli %select_n3A_321, %mul3A_322 : i32
        %dma_wait3A_324 = arith.constant 0 : i32
        %dma_wait3A_325 = arith.constant 0 : i32
        %dma_wait3A_326 = arith.constant 0 : i32
        %dma_wait3A_327 = tpu.memref_slice %arg8[%dma_wait3A_324, %dma_wait3A_326] : memref<2x2048xf32, #tpu.memory_space<vmem>> -> memref<1x2048xf32, #tpu.memory_space<vmem>>
        %dma_wait3A_328 = tpu.memref_squeeze %dma_wait3A_327 : memref<1x2048xf32, #tpu.memory_space<vmem>> -> memref<2048xf32, #tpu.memory_space<vmem>>
        %dma_wait3A_329 = tpu.memref_slice %arg5[%select_n3A_305, %add3A_5, %mul3A_323] : memref<4x64x8192xf32, #tpu.memory_space<hbm>> -> memref<1x1x2048xf32, #tpu.memory_space<hbm>>
        %dma_wait3A_330 = tpu.memref_squeeze %dma_wait3A_329 : memref<1x1x2048xf32, #tpu.memory_space<hbm>> -> memref<2048xf32, #tpu.memory_space<hbm>>
        %dma_wait3A_331 = tpu.memref_slice %arg11[%dma_wait3A_325] : memref<2x!tpu.dma_semaphore, #tpu.memory_space<semaphore_mem>> -> memref<1x!tpu.dma_semaphore, #tpu.memory_space<semaphore_mem>>
        %dma_wait3A_332 = tpu.memref_squeeze %dma_wait3A_331 : memref<1x!tpu.dma_semaphore, #tpu.memory_space<semaphore_mem>> -> memref<!tpu.dma_semaphore, #tpu.memory_space<semaphore_mem>>
        %dma_wait3A_333 = tpu.memref_slice %arg5[%select_n3A_305, %add3A_5, %mul3A_323] : memref<4x64x8192xf32, #tpu.memory_space<hbm>> -> memref<1x1x2048xf32, #tpu.memory_space<hbm>>
        %dma_wait3A_334 = tpu.memref_squeeze %dma_wait3A_333 : memref<1x1x2048xf32, #tpu.memory_space<hbm>> -> memref<2048xf32, #tpu.memory_space<hbm>>
        %dma_wait3A_335 = arith.constant 0 : i32
        %dma_wait3A_336 = tpu.memref_slice %arg8[%dma_wait3A_324, %dma_wait3A_335] : memref<2x2048xf32, #tpu.memory_space<vmem>> -> memref<1x2048xf32, #tpu.memory_space<vmem>>
        %dma_wait3A_337 = tpu.memref_squeeze %dma_wait3A_336 : memref<1x2048xf32, #tpu.memory_space<vmem>> -> memref<2048xf32, #tpu.memory_space<vmem>>
        tpu.wait_dma2 semaphore(%dma_wait3A_332 : memref<!tpu.dma_semaphore, #tpu.memory_space<semaphore_mem>>) src(%dma_wait3A_337 : memref<2048xf32, #tpu.memory_space<vmem>>) dst(%dma_wait3A_334 : memref<2048xf32, #tpu.memory_space<hbm>>)
      } else {
      }
      %parallel_loop3A = arith.constant 0 : i32
      %parallel_loop3A_142 = arith.constant 2048 : i32
      %parallel_loop3A_143 = arith.constant 16 : i32
      scf.for %parallel_loop3A_280 = %parallel_loop3A to %parallel_loop3A_142 step %parallel_loop3A_143  : i32 {
        %parallel_loop3A_281 = arith.constant 0 : i32
        %parallel_loop3A_282 = arith.index_cast %parallel_loop3A_281 : i32 to index
        %parallel_loop3A_283 = arith.index_cast %parallel_loop3A_280 : i32 to index
        %parallel_loop3A_284 = tpu.vector_load %arg7[%parallel_loop3A_282, %parallel_loop3A_283] {strides = array<i32>} : memref<2x2048xi32, #tpu.memory_space<vmem>>, vector<16xi32>,
        %parallel_loop3A_285 = tpu.vector_load_idx %arg6[%parallel_loop3A_284] : memref<100000xf32, #tpu.memory_space<vmem>>[vector<16xi32>], vector<16xf32>,
        %parallel_loop3A_286 = arith.mulf %parallel_loop3A_285, %get3A_1 : vector<16xf32>
        %parallel_loop3A_287 = arith.constant 0 : i32
        %parallel_loop3A_288 = arith.index_cast %parallel_loop3A_287 : i32 to index
        %parallel_loop3A_289 = arith.index_cast %parallel_loop3A_280 : i32 to index
        %parallel_loop3A_290 = tpu.vector_load %arg8[%parallel_loop3A_288, %parallel_loop3A_289] {strides = array<i32>} : memref<2x2048xf32, #tpu.memory_space<vmem>>, vector<16xf32>,
        tpu.vector_store %arg8[%parallel_loop3A_288, %parallel_loop3A_289], %parallel_loop3A_286 {strides = array<i32>} : memref<2x2048xf32, #tpu.memory_space<vmem>>, vector<16xf32>,
      } {sc.loop_unroll_factor = 8 : i64, sc.parallel_access}
      %jit3A = arith.constant 4 : i32
      %div3A = arith.divsi %add3A_119, %jit3A : i32
      %sign3A = arith.constant 0 : i32
      %sign3A_144 = arith.cmpi sgt, %add3A_119, %sign3A : i32
      %sign3A_145 = arith.extui %sign3A_144 : i1 to i32
      %sign3A_146 = arith.constant 0 : i32
      %sign3A_147 = arith.cmpi slt, %add3A_119, %sign3A_146 : i32
      %sign3A_148 = arith.extui %sign3A_147 : i1 to i32
      %sign3A_149 = arith.subi %sign3A_145, %sign3A_148 : i32
      %sign3A_150 = arith.constant 0 : i32
      %sign3A_151 = arith.cmpi sgt, %jit3A, %sign3A_150 : i32
      %sign3A_152 = arith.extui %sign3A_151 : i1 to i32
      %sign3A_153 = arith.constant 0 : i32
      %sign3A_154 = arith.cmpi slt, %jit3A, %sign3A_153 : i32
      %sign3A_155 = arith.extui %sign3A_154 : i1 to i32
      %sign3A_156 = arith.subi %sign3A_152, %sign3A_155 : i32
      %ne3A = arith.cmpi ne, %sign3A_149, %sign3A_156 : i32
      %rem3A = arith.remsi %add3A_119, %jit3A : i32
      %ne3A_157 = arith.constant 0 : i32
      %ne3A_158 = arith.cmpi ne, %rem3A, %ne3A_157 : i32
      %and3A = arith.andi %ne3A, %ne3A_158 : i1
      %sub3A = arith.constant 1 : i32
      %sub3A_159 = arith.subi %div3A, %sub3A : i32
      %select_n3A = arith.select %and3A, %sub3A_159, %div3A : i32
      %jit3A_160 = arith.constant 4 : i32
      %eq3A = arith.constant 0 : i32
      %eq3A_161 = arith.cmpi eq, %jit3A_160, %eq3A : i32
      %jit3A_162 = arith.constant 1 : i32
      %select_n3A_163 = arith.select %eq3A_161, %jit3A_162, %jit3A_160 : i32
      %rem3A_164 = arith.remsi %add3A_119, %select_n3A_163 : i32
      %ne3A_165 = arith.constant 0 : i32
      %ne3A_166 = arith.cmpi ne, %rem3A_164, %ne3A_165 : i32
      %lt3A_167 = arith.constant 0 : i32
      %lt3A_168 = arith.cmpi slt, %rem3A_164, %lt3A_167 : i32
      %lt3A_169 = arith.constant 0 : i32
      %lt3A_170 = arith.cmpi slt, %select_n3A_163, %lt3A_169 : i32
      %ne3A_171 = arith.xori %lt3A_168, %lt3A_170 : i1
      %and3A_172 = arith.andi %ne3A_171, %ne3A_166 : i1
      %add3A_173 = arith.addi %rem3A_164, %select_n3A_163 : i32
      %select_n3A_174 = arith.select %and3A_172, %add3A_173, %rem3A_164 : i32
      %mul3A_175 = arith.constant 2048 : i32
      %mul3A_176 = arith.muli %select_n3A_174, %mul3A_175 : i32
      %dma_start3A_177 = arith.constant 0 : i32
      %dma_start3A_178 = arith.constant 0 : i32
      %dma_start3A_179 = arith.constant 0 : i32
      %dma_start3A_180 = tpu.memref_slice %arg8[%dma_start3A_177, %dma_start3A_179] : memref<2x2048xf32, #tpu.memory_space<vmem>> -> memref<1x2048xf32, #tpu.memory_space<vmem>>
      %dma_start3A_181 = tpu.memref_squeeze %dma_start3A_180 : memref<1x2048xf32, #tpu.memory_space<vmem>> -> memref<2048xf32, #tpu.memory_space<vmem>>
      %dma_start3A_182 = tpu.memref_slice %arg5[%select_n3A, %add3A_5, %mul3A_176] : memref<4x64x8192xf32, #tpu.memory_space<hbm>> -> memref<1x1x2048xf32, #tpu.memory_space<hbm>>
      %dma_start3A_183 = tpu.memref_squeeze %dma_start3A_182 : memref<1x1x2048xf32, #tpu.memory_space<hbm>> -> memref<2048xf32, #tpu.memory_space<hbm>>
      %dma_start3A_184 = tpu.memref_slice %arg11[%dma_start3A_178] : memref<2x!tpu.dma_semaphore, #tpu.memory_space<semaphore_mem>> -> memref<1x!tpu.dma_semaphore, #tpu.memory_space<semaphore_mem>>
      %dma_start3A_185 = tpu.memref_squeeze %dma_start3A_184 : memref<1x!tpu.dma_semaphore, #tpu.memory_space<semaphore_mem>> -> memref<!tpu.dma_semaphore, #tpu.memory_space<semaphore_mem>>
      %dma_start3A_186 = tpu.memref_slice %arg5[%select_n3A, %add3A_5, %mul3A_176] : memref<4x64x8192xf32, #tpu.memory_space<hbm>> -> memref<1x1x2048xf32, #tpu.memory_space<hbm>>
      %dma_start3A_187 = tpu.memref_squeeze %dma_start3A_186 : memref<1x1x2048xf32, #tpu.memory_space<hbm>> -> memref<2048xf32, #tpu.memory_space<hbm>>
      %dma_start3A_188 = arith.constant 0 : i32
      %dma_start3A_189 = tpu.memref_slice %arg8[%dma_start3A_177, %dma_start3A_188] : memref<2x2048xf32, #tpu.memory_space<vmem>> -> memref<1x2048xf32, #tpu.memory_space<vmem>>
      %dma_start3A_190 = tpu.memref_squeeze %dma_start3A_189 : memref<1x2048xf32, #tpu.memory_space<vmem>> -> memref<2048xf32, #tpu.memory_space<vmem>>
      tpu.enqueue_dma source(%dma_start3A_190 : memref<2048xf32, #tpu.memory_space<vmem>>) target(%dma_start3A_187 : memref<2048xf32, #tpu.memory_space<hbm>>) target_semaphore(%dma_start3A_185 : memref<!tpu.dma_semaphore, #tpu.memory_space<semaphore_mem>>)
      %mul3A_191 = arith.constant 2 : i32
      %mul3A_192 = arith.muli %mul3A_191, %scan3A_115 : i32
      %add3A_193 = arith.constant 1 : i32
      %add3A_194 = arith.addi %mul3A_192, %add3A_193 : i32
      %add3A_195 = arith.constant 1 : i32
      %add3A_196 = arith.addi %add3A_194, %add3A_195 : i32
      %lt3A_197 = arith.constant 16 : i32
      %lt3A_198 = arith.cmpi slt, %add3A_196, %lt3A_197 : i32
      %convert_element_type3A_199 = arith.extui %lt3A_198 : i1 to i32
      %cond3A_200 = arith.constant 0 : i32
      %cond3A_201 = arith.cmpi ne, %convert_element_type3A_199, %cond3A_200 : i32
      scf.if %cond3A_201 {
        %add3A_280 = arith.constant 1 : i32
        %add3A_281 = arith.addi %add3A_194, %add3A_280 : i32
        %mul3A_282 = arith.constant 2048 : i32
        %mul3A_283 = arith.muli %add3A_281, %mul3A_282 : i32
        %dma_start3A_284 = arith.constant 0 : i32
        %dma_start3A_285 = arith.constant 0 : i32
        %dma_start3A_286 = arith.constant 0 : i32
        %dma_start3A_287 = tpu.memref_slice %arg7[%dma_start3A_284, %dma_start3A_286] : memref<2x2048xi32, #tpu.memory_space<vmem>> -> memref<1x2048xi32, #tpu.memory_space<vmem>>
        %dma_start3A_288 = tpu.memref_squeeze %dma_start3A_287 : memref<1x2048xi32, #tpu.memory_space<vmem>> -> memref<2048xi32, #tpu.memory_space<vmem>>
        %dma_start3A_289 = tpu.memref_slice %arg2[%mul3A_283] : memref<32768xi32, #tpu.memory_space<hbm>> -> memref<2048xi32, #tpu.memory_space<hbm>>
        %dma_start3A_290 = tpu.memref_slice %arg10[%dma_start3A_285] : memref<2x!tpu.dma_semaphore, #tpu.memory_space<semaphore_mem>> -> memref<1x!tpu.dma_semaphore, #tpu.memory_space<semaphore_mem>>
        %dma_start3A_291 = tpu.memref_squeeze %dma_start3A_290 : memref<1x!tpu.dma_semaphore, #tpu.memory_space<semaphore_mem>> -> memref<!tpu.dma_semaphore, #tpu.memory_space<semaphore_mem>>
        %dma_start3A_292 = arith.constant 0 : i32
        %dma_start3A_293 = tpu.memref_slice %arg7[%dma_start3A_284, %dma_start3A_292] : memref<2x2048xi32, #tpu.memory_space<vmem>> -> memref<1x2048xi32, #tpu.memory_space<vmem>>
        %dma_start3A_294 = tpu.memref_squeeze %dma_start3A_293 : memref<1x2048xi32, #tpu.memory_space<vmem>> -> memref<2048xi32, #tpu.memory_space<vmem>>
        %dma_start3A_295 = tpu.memref_slice %arg2[%mul3A_283] : memref<32768xi32, #tpu.memory_space<hbm>> -> memref<2048xi32, #tpu.memory_space<hbm>>
        tpu.enqueue_dma source(%dma_start3A_295 : memref<2048xi32, #tpu.memory_space<hbm>>) target(%dma_start3A_294 : memref<2048xi32, #tpu.memory_space<vmem>>) target_semaphore(%dma_start3A_291 : memref<!tpu.dma_semaphore, #tpu.memory_space<semaphore_mem>>)
      } else {
      }
      %mul3A_202 = arith.constant 2048 : i32
      %mul3A_203 = arith.muli %add3A_194, %mul3A_202 : i32
      %dma_wait3A_204 = arith.constant 1 : i32
      %dma_wait3A_205 = arith.constant 1 : i32
      %dma_wait3A_206 = arith.constant 0 : i32
      %dma_wait3A_207 = tpu.memref_slice %arg7[%dma_wait3A_204, %dma_wait3A_206] : memref<2x2048xi32, #tpu.memory_space<vmem>> -> memref<1x2048xi32, #tpu.memory_space<vmem>>
      %dma_wait3A_208 = tpu.memref_squeeze %dma_wait3A_207 : memref<1x2048xi32, #tpu.memory_space<vmem>> -> memref<2048xi32, #tpu.memory_space<vmem>>
      %dma_wait3A_209 = tpu.memref_slice %arg2[%mul3A_203] : memref<32768xi32, #tpu.memory_space<hbm>> -> memref<2048xi32, #tpu.memory_space<hbm>>
      %dma_wait3A_210 = tpu.memref_slice %arg10[%dma_wait3A_205] : memref<2x!tpu.dma_semaphore, #tpu.memory_space<semaphore_mem>> -> memref<1x!tpu.dma_semaphore, #tpu.memory_space<semaphore_mem>>
      %dma_wait3A_211 = tpu.memref_squeeze %dma_wait3A_210 : memref<1x!tpu.dma_semaphore, #tpu.memory_space<semaphore_mem>> -> memref<!tpu.dma_semaphore, #tpu.memory_space<semaphore_mem>>
      %dma_wait3A_212 = arith.constant 0 : i32
      %dma_wait3A_213 = tpu.memref_slice %arg7[%dma_wait3A_204, %dma_wait3A_212] : memref<2x2048xi32, #tpu.memory_space<vmem>> -> memref<1x2048xi32, #tpu.memory_space<vmem>>
      %dma_wait3A_214 = tpu.memref_squeeze %dma_wait3A_213 : memref<1x2048xi32, #tpu.memory_space<vmem>> -> memref<2048xi32, #tpu.memory_space<vmem>>
      %dma_wait3A_215 = tpu.memref_slice %arg2[%mul3A_203] : memref<32768xi32, #tpu.memory_space<hbm>> -> memref<2048xi32, #tpu.memory_space<hbm>>
      tpu.wait_dma2 semaphore(%dma_wait3A_211 : memref<!tpu.dma_semaphore, #tpu.memory_space<semaphore_mem>>) src(%dma_wait3A_215 : memref<2048xi32, #tpu.memory_space<hbm>>) dst(%dma_wait3A_214 : memref<2048xi32, #tpu.memory_space<vmem>>)
      %ge3A_216 = arith.constant 2 : i32
      %ge3A_217 = arith.cmpi sge, %add3A_194, %ge3A_216 : i32
      %convert_element_type3A_218 = arith.extui %ge3A_217 : i1 to i32
      %cond3A_219 = arith.constant 0 : i32
      %cond3A_220 = arith.cmpi ne, %convert_element_type3A_218, %cond3A_219 : i32
      scf.if %cond3A_220 {
        %sub3A_280 = arith.constant 2 : i32
        %sub3A_281 = arith.subi %add3A_194, %sub3A_280 : i32
        %jit3A_282 = arith.constant 4 : i32
        %div3A_283 = arith.divsi %sub3A_281, %jit3A_282 : i32
        %sign3A_284 = arith.constant 0 : i32
        %sign3A_285 = arith.cmpi sgt, %sub3A_281, %sign3A_284 : i32
        %sign3A_286 = arith.extui %sign3A_285 : i1 to i32
        %sign3A_287 = arith.constant 0 : i32
        %sign3A_288 = arith.cmpi slt, %sub3A_281, %sign3A_287 : i32
        %sign3A_289 = arith.extui %sign3A_288 : i1 to i32
        %sign3A_290 = arith.subi %sign3A_286, %sign3A_289 : i32
        %sign3A_291 = arith.constant 0 : i32
        %sign3A_292 = arith.cmpi sgt, %jit3A_282, %sign3A_291 : i32
        %sign3A_293 = arith.extui %sign3A_292 : i1 to i32
        %sign3A_294 = arith.constant 0 : i32
        %sign3A_295 = arith.cmpi slt, %jit3A_282, %sign3A_294 : i32
        %sign3A_296 = arith.extui %sign3A_295 : i1 to i32
        %sign3A_297 = arith.subi %sign3A_293, %sign3A_296 : i32
        %ne3A_298 = arith.cmpi ne, %sign3A_290, %sign3A_297 : i32
        %rem3A_299 = arith.remsi %sub3A_281, %jit3A_282 : i32
        %ne3A_300 = arith.constant 0 : i32
        %ne3A_301 = arith.cmpi ne, %rem3A_299, %ne3A_300 : i32
        %and3A_302 = arith.andi %ne3A_298, %ne3A_301 : i1
        %sub3A_303 = arith.constant 1 : i32
        %sub3A_304 = arith.subi %div3A_283, %sub3A_303 : i32
        %select_n3A_305 = arith.select %and3A_302, %sub3A_304, %div3A_283 : i32
        %jit3A_306 = arith.constant 4 : i32
        %eq3A_307 = arith.constant 0 : i32
        %eq3A_308 = arith.cmpi eq, %jit3A_306, %eq3A_307 : i32
        %jit3A_309 = arith.constant 1 : i32
        %select_n3A_310 = arith.select %eq3A_308, %jit3A_309, %jit3A_306 : i32
        %rem3A_311 = arith.remsi %sub3A_281, %select_n3A_310 : i32
        %ne3A_312 = arith.constant 0 : i32
        %ne3A_313 = arith.cmpi ne, %rem3A_311, %ne3A_312 : i32
        %lt3A_314 = arith.constant 0 : i32
        %lt3A_315 = arith.cmpi slt, %rem3A_311, %lt3A_314 : i32
        %lt3A_316 = arith.constant 0 : i32
        %lt3A_317 = arith.cmpi slt, %select_n3A_310, %lt3A_316 : i32
        %ne3A_318 = arith.xori %lt3A_315, %lt3A_317 : i1
        %and3A_319 = arith.andi %ne3A_318, %ne3A_313 : i1
        %add3A_320 = arith.addi %rem3A_311, %select_n3A_310 : i32
        %select_n3A_321 = arith.select %and3A_319, %add3A_320, %rem3A_311 : i32
        %mul3A_322 = arith.constant 2048 : i32
        %mul3A_323 = arith.muli %select_n3A_321, %mul3A_322 : i32
        %dma_wait3A_324 = arith.constant 1 : i32
        %dma_wait3A_325 = arith.constant 1 : i32
        %dma_wait3A_326 = arith.constant 0 : i32
        %dma_wait3A_327 = tpu.memref_slice %arg8[%dma_wait3A_324, %dma_wait3A_326] : memref<2x2048xf32, #tpu.memory_space<vmem>> -> memref<1x2048xf32, #tpu.memory_space<vmem>>
        %dma_wait3A_328 = tpu.memref_squeeze %dma_wait3A_327 : memref<1x2048xf32, #tpu.memory_space<vmem>> -> memref<2048xf32, #tpu.memory_space<vmem>>
        %dma_wait3A_329 = tpu.memref_slice %arg5[%select_n3A_305, %add3A_5, %mul3A_323] : memref<4x64x8192xf32, #tpu.memory_space<hbm>> -> memref<1x1x2048xf32, #tpu.memory_space<hbm>>
        %dma_wait3A_330 = tpu.memref_squeeze %dma_wait3A_329 : memref<1x1x2048xf32, #tpu.memory_space<hbm>> -> memref<2048xf32, #tpu.memory_space<hbm>>
        %dma_wait3A_331 = tpu.memref_slice %arg11[%dma_wait3A_325] : memref<2x!tpu.dma_semaphore, #tpu.memory_space<semaphore_mem>> -> memref<1x!tpu.dma_semaphore, #tpu.memory_space<semaphore_mem>>
        %dma_wait3A_332 = tpu.memref_squeeze %dma_wait3A_331 : memref<1x!tpu.dma_semaphore, #tpu.memory_space<semaphore_mem>> -> memref<!tpu.dma_semaphore, #tpu.memory_space<semaphore_mem>>
        %dma_wait3A_333 = tpu.memref_slice %arg5[%select_n3A_305, %add3A_5, %mul3A_323] : memref<4x64x8192xf32, #tpu.memory_space<hbm>> -> memref<1x1x2048xf32, #tpu.memory_space<hbm>>
        %dma_wait3A_334 = tpu.memref_squeeze %dma_wait3A_333 : memref<1x1x2048xf32, #tpu.memory_space<hbm>> -> memref<2048xf32, #tpu.memory_space<hbm>>
        %dma_wait3A_335 = arith.constant 0 : i32
        %dma_wait3A_336 = tpu.memref_slice %arg8[%dma_wait3A_324, %dma_wait3A_335] : memref<2x2048xf32, #tpu.memory_space<vmem>> -> memref<1x2048xf32, #tpu.memory_space<vmem>>
        %dma_wait3A_337 = tpu.memref_squeeze %dma_wait3A_336 : memref<1x2048xf32, #tpu.memory_space<vmem>> -> memref<2048xf32, #tpu.memory_space<vmem>>
        tpu.wait_dma2 semaphore(%dma_wait3A_332 : memref<!tpu.dma_semaphore, #tpu.memory_space<semaphore_mem>>) src(%dma_wait3A_337 : memref<2048xf32, #tpu.memory_space<vmem>>) dst(%dma_wait3A_334 : memref<2048xf32, #tpu.memory_space<hbm>>)
      } else {
      }
      %parallel_loop3A_221 = arith.constant 0 : i32
      %parallel_loop3A_222 = arith.constant 2048 : i32
      %parallel_loop3A_223 = arith.constant 16 : i32
      scf.for %parallel_loop3A_280 = %parallel_loop3A_221 to %parallel_loop3A_222 step %parallel_loop3A_223  : i32 {
        %parallel_loop3A_281 = arith.constant 1 : i32
        %parallel_loop3A_282 = arith.index_cast %parallel_loop3A_281 : i32 to index
        %parallel_loop3A_283 = arith.index_cast %parallel_loop3A_280 : i32 to index
        %parallel_loop3A_284 = tpu.vector_load %arg7[%parallel_loop3A_282, %parallel_loop3A_283] {strides = array<i32>} : memref<2x2048xi32, #tpu.memory_space<vmem>>, vector<16xi32>,
        %parallel_loop3A_285 = tpu.vector_load_idx %arg6[%parallel_loop3A_284] : memref<100000xf32, #tpu.memory_space<vmem>>[vector<16xi32>], vector<16xf32>,
        %parallel_loop3A_286 = arith.mulf %parallel_loop3A_285, %get3A_1 : vector<16xf32>
        %parallel_loop3A_287 = arith.constant 1 : i32
        %parallel_loop3A_288 = arith.index_cast %parallel_loop3A_287 : i32 to index
        %parallel_loop3A_289 = arith.index_cast %parallel_loop3A_280 : i32 to index
        %parallel_loop3A_290 = tpu.vector_load %arg8[%parallel_loop3A_288, %parallel_loop3A_289] {strides = array<i32>} : memref<2x2048xf32, #tpu.memory_space<vmem>>, vector<16xf32>,
        tpu.vector_store %arg8[%parallel_loop3A_288, %parallel_loop3A_289], %parallel_loop3A_286 {strides = array<i32>} : memref<2x2048xf32, #tpu.memory_space<vmem>>, vector<16xf32>,
      } {sc.loop_unroll_factor = 8 : i64, sc.parallel_access}
      %jit3A_224 = arith.constant 4 : i32
      %div3A_225 = arith.divsi %add3A_194, %jit3A_224 : i32
      %sign3A_226 = arith.constant 0 : i32
      %sign3A_227 = arith.cmpi sgt, %add3A_194, %sign3A_226 : i32
      %sign3A_228 = arith.extui %sign3A_227 : i1 to i32
      %sign3A_229 = arith.constant 0 : i32
      %sign3A_230 = arith.cmpi slt, %add3A_194, %sign3A_229 : i32
      %sign3A_231 = arith.extui %sign3A_230 : i1 to i32
      %sign3A_232 = arith.subi %sign3A_228, %sign3A_231 : i32
      %sign3A_233 = arith.constant 0 : i32
      %sign3A_234 = arith.cmpi sgt, %jit3A_224, %sign3A_233 : i32
      %sign3A_235 = arith.extui %sign3A_234 : i1 to i32
      %sign3A_236 = arith.constant 0 : i32
      %sign3A_237 = arith.cmpi slt, %jit3A_224, %sign3A_236 : i32
      %sign3A_238 = arith.extui %sign3A_237 : i1 to i32
      %sign3A_239 = arith.subi %sign3A_235, %sign3A_238 : i32
      %ne3A_240 = arith.cmpi ne, %sign3A_232, %sign3A_239 : i32
      %rem3A_241 = arith.remsi %add3A_194, %jit3A_224 : i32
      %ne3A_242 = arith.constant 0 : i32
      %ne3A_243 = arith.cmpi ne, %rem3A_241, %ne3A_242 : i32
      %and3A_244 = arith.andi %ne3A_240, %ne3A_243 : i1
      %sub3A_245 = arith.constant 1 : i32
      %sub3A_246 = arith.subi %div3A_225, %sub3A_245 : i32
      %select_n3A_247 = arith.select %and3A_244, %sub3A_246, %div3A_225 : i32
      %jit3A_248 = arith.constant 4 : i32
      %eq3A_249 = arith.constant 0 : i32
      %eq3A_250 = arith.cmpi eq, %jit3A_248, %eq3A_249 : i32
      %jit3A_251 = arith.constant 1 : i32
      %select_n3A_252 = arith.select %eq3A_250, %jit3A_251, %jit3A_248 : i32
      %rem3A_253 = arith.remsi %add3A_194, %select_n3A_252 : i32
      %ne3A_254 = arith.constant 0 : i32
      %ne3A_255 = arith.cmpi ne, %rem3A_253, %ne3A_254 : i32
      %lt3A_256 = arith.constant 0 : i32
      %lt3A_257 = arith.cmpi slt, %rem3A_253, %lt3A_256 : i32
      %lt3A_258 = arith.constant 0 : i32
      %lt3A_259 = arith.cmpi slt, %select_n3A_252, %lt3A_258 : i32
      %ne3A_260 = arith.xori %lt3A_257, %lt3A_259 : i1
      %and3A_261 = arith.andi %ne3A_260, %ne3A_255 : i1
      %add3A_262 = arith.addi %rem3A_253, %select_n3A_252 : i32
      %select_n3A_263 = arith.select %and3A_261, %add3A_262, %rem3A_253 : i32
      %mul3A_264 = arith.constant 2048 : i32
      %mul3A_265 = arith.muli %select_n3A_263, %mul3A_264 : i32
      %dma_start3A_266 = arith.constant 1 : i32
      %dma_start3A_267 = arith.constant 1 : i32
      %dma_start3A_268 = arith.constant 0 : i32
      %dma_start3A_269 = tpu.memref_slice %arg8[%dma_start3A_266, %dma_start3A_268] : memref<2x2048xf32, #tpu.memory_space<vmem>> -> memref<1x2048xf32, #tpu.memory_space<vmem>>
      %dma_start3A_270 = tpu.memref_squeeze %dma_start3A_269 : memref<1x2048xf32, #tpu.memory_space<vmem>> -> memref<2048xf32, #tpu.memory_space<vmem>>
      %dma_start3A_271 = tpu.memref_slice %arg5[%select_n3A_247, %add3A_5, %mul3A_265] : memref<4x64x8192xf32, #tpu.memory_space<hbm>> -> memref<1x1x2048xf32, #tpu.memory_space<hbm>>
      %dma_start3A_272 = tpu.memref_squeeze %dma_start3A_271 : memref<1x1x2048xf32, #tpu.memory_space<hbm>> -> memref<2048xf32, #tpu.memory_space<hbm>>
      %dma_start3A_273 = tpu.memref_slice %arg11[%dma_start3A_267] : memref<2x!tpu.dma_semaphore, #tpu.memory_space<semaphore_mem>> -> memref<1x!tpu.dma_semaphore, #tpu.memory_space<semaphore_mem>>
      %dma_start3A_274 = tpu.memref_squeeze %dma_start3A_273 : memref<1x!tpu.dma_semaphore, #tpu.memory_space<semaphore_mem>> -> memref<!tpu.dma_semaphore, #tpu.memory_space<semaphore_mem>>
      %dma_start3A_275 = tpu.memref_slice %arg5[%select_n3A_247, %add3A_5, %mul3A_265] : memref<4x64x8192xf32, #tpu.memory_space<hbm>> -> memref<1x1x2048xf32, #tpu.memory_space<hbm>>
      %dma_start3A_276 = tpu.memref_squeeze %dma_start3A_275 : memref<1x1x2048xf32, #tpu.memory_space<hbm>> -> memref<2048xf32, #tpu.memory_space<hbm>>
      %dma_start3A_277 = arith.constant 0 : i32
      %dma_start3A_278 = tpu.memref_slice %arg8[%dma_start3A_266, %dma_start3A_277] : memref<2x2048xf32, #tpu.memory_space<vmem>> -> memref<1x2048xf32, #tpu.memory_space<vmem>>
      %dma_start3A_279 = tpu.memref_squeeze %dma_start3A_278 : memref<1x2048xf32, #tpu.memory_space<vmem>> -> memref<2048xf32, #tpu.memory_space<vmem>>
      tpu.enqueue_dma source(%dma_start3A_279 : memref<2048xf32, #tpu.memory_space<vmem>>) target(%dma_start3A_276 : memref<2048xf32, #tpu.memory_space<hbm>>) target_semaphore(%dma_start3A_274 : memref<!tpu.dma_semaphore, #tpu.memory_space<semaphore_mem>>)
    }
    %scan3A_23 = arith.constant 8 : i32
    %dma_wait3A = arith.constant 0 : i32
    %dma_wait3A_24 = arith.constant 3 : i32
    %dma_wait3A_25 = arith.constant 0 : i32
    %dma_wait3A_26 = arith.constant 0 : i32
    %dma_wait3A_27 = tpu.memref_slice %arg8[%dma_wait3A, %dma_wait3A_26] : memref<2x2048xf32, #tpu.memory_space<vmem>> -> memref<1x2048xf32, #tpu.memory_space<vmem>>
    %dma_wait3A_28 = tpu.memref_squeeze %dma_wait3A_27 : memref<1x2048xf32, #tpu.memory_space<vmem>> -> memref<2048xf32, #tpu.memory_space<vmem>>
    %dma_wait3A_29 = arith.constant 4096 : i32
    %dma_wait3A_30 = tpu.memref_slice %arg5[%dma_wait3A_24, %add3A_5, %dma_wait3A_29] : memref<4x64x8192xf32, #tpu.memory_space<hbm>> -> memref<1x1x2048xf32, #tpu.memory_space<hbm>>
    %dma_wait3A_31 = tpu.memref_squeeze %dma_wait3A_30 : memref<1x1x2048xf32, #tpu.memory_space<hbm>> -> memref<2048xf32, #tpu.memory_space<hbm>>
    %dma_wait3A_32 = tpu.memref_slice %arg11[%dma_wait3A_25] : memref<2x!tpu.dma_semaphore, #tpu.memory_space<semaphore_mem>> -> memref<1x!tpu.dma_semaphore, #tpu.memory_space<semaphore_mem>>
    %dma_wait3A_33 = tpu.memref_squeeze %dma_wait3A_32 : memref<1x!tpu.dma_semaphore, #tpu.memory_space<semaphore_mem>> -> memref<!tpu.dma_semaphore, #tpu.memory_space<semaphore_mem>>
    %dma_wait3A_34 = arith.constant 4096 : i32
    %dma_wait3A_35 = tpu.memref_slice %arg5[%dma_wait3A_24, %add3A_5, %dma_wait3A_34] : memref<4x64x8192xf32, #tpu.memory_space<hbm>> -> memref<1x1x2048xf32, #tpu.memory_space<hbm>>
    %dma_wait3A_36 = tpu.memref_squeeze %dma_wait3A_35 : memref<1x1x2048xf32, #tpu.memory_space<hbm>> -> memref<2048xf32, #tpu.memory_space<hbm>>
    %dma_wait3A_37 = arith.constant 0 : i32
    %dma_wait3A_38 = tpu.memref_slice %arg8[%dma_wait3A, %dma_wait3A_37] : memref<2x2048xf32, #tpu.memory_space<vmem>> -> memref<1x2048xf32, #tpu.memory_space<vmem>>
    %dma_wait3A_39 = tpu.memref_squeeze %dma_wait3A_38 : memref<1x2048xf32, #tpu.memory_space<vmem>> -> memref<2048xf32, #tpu.memory_space<vmem>>
    tpu.wait_dma2 semaphore(%dma_wait3A_33 : memref<!tpu.dma_semaphore, #tpu.memory_space<semaphore_mem>>) src(%dma_wait3A_39 : memref<2048xf32, #tpu.memory_space<vmem>>) dst(%dma_wait3A_36 : memref<2048xf32, #tpu.memory_space<hbm>>)
    %dma_wait3A_40 = arith.constant 1 : i32
    %dma_wait3A_41 = arith.constant 3 : i32
    %dma_wait3A_42 = arith.constant 1 : i32
    %dma_wait3A_43 = arith.constant 0 : i32
    %dma_wait3A_44 = tpu.memref_slice %arg8[%dma_wait3A_40, %dma_wait3A_43] : memref<2x2048xf32, #tpu.memory_space<vmem>> -> memref<1x2048xf32, #tpu.memory_space<vmem>>
    %dma_wait3A_45 = tpu.memref_squeeze %dma_wait3A_44 : memref<1x2048xf32, #tpu.memory_space<vmem>> -> memref<2048xf32, #tpu.memory_space<vmem>>
    %dma_wait3A_46 = arith.constant 6144 : i32
    %dma_wait3A_47 = tpu.memref_slice %arg5[%dma_wait3A_41, %add3A_5, %dma_wait3A_46] : memref<4x64x8192xf32, #tpu.memory_space<hbm>> -> memref<1x1x2048xf32, #tpu.memory_space<hbm>>
    %dma_wait3A_48 = tpu.memref_squeeze %dma_wait3A_47 : memref<1x1x2048xf32, #tpu.memory_space<hbm>> -> memref<2048xf32, #tpu.memory_space<hbm>>
    %dma_wait3A_49 = tpu.memref_slice %arg11[%dma_wait3A_42] : memref<2x!tpu.dma_semaphore, #tpu.memory_space<semaphore_mem>> -> memref<1x!tpu.dma_semaphore, #tpu.memory_space<semaphore_mem>>
    %dma_wait3A_50 = tpu.memref_squeeze %dma_wait3A_49 : memref<1x!tpu.dma_semaphore, #tpu.memory_space<semaphore_mem>> -> memref<!tpu.dma_semaphore, #tpu.memory_space<semaphore_mem>>
    %dma_wait3A_51 = arith.constant 6144 : i32
    %dma_wait3A_52 = tpu.memref_slice %arg5[%dma_wait3A_41, %add3A_5, %dma_wait3A_51] : memref<4x64x8192xf32, #tpu.memory_space<hbm>> -> memref<1x1x2048xf32, #tpu.memory_space<hbm>>
    %dma_wait3A_53 = tpu.memref_squeeze %dma_wait3A_52 : memref<1x1x2048xf32, #tpu.memory_space<hbm>> -> memref<2048xf32, #tpu.memory_space<hbm>>
    %dma_wait3A_54 = arith.constant 0 : i32
    %dma_wait3A_55 = tpu.memref_slice %arg8[%dma_wait3A_40, %dma_wait3A_54] : memref<2x2048xf32, #tpu.memory_space<vmem>> -> memref<1x2048xf32, #tpu.memory_space<vmem>>
    %dma_wait3A_56 = tpu.memref_squeeze %dma_wait3A_55 : memref<1x2048xf32, #tpu.memory_space<vmem>> -> memref<2048xf32, #tpu.memory_space<vmem>>
    tpu.wait_dma2 semaphore(%dma_wait3A_50 : memref<!tpu.dma_semaphore, #tpu.memory_space<semaphore_mem>>) src(%dma_wait3A_56 : memref<2048xf32, #tpu.memory_space<vmem>>) dst(%dma_wait3A_53 : memref<2048xf32, #tpu.memory_space<hbm>>)
    %mul3A_57 = arith.constant 2 : i32
    %mul3A_58 = arith.muli %add3A, %mul3A_57 : i32
    %add3A_59 = arith.constant 1 : i32
    %add3A_60 = arith.addi %mul3A_58, %add3A_59 : i32
    "tpu.region"() ({
      %run_scoped3A = tpu.sem_alloc : memref<!tpu.dma_semaphore, #tpu.memory_space<semaphore_mem>>
      %dma_start3A_115 = arith.constant 0 : i32
      %dma_start3A_116 = tpu.memref_slice %arg3[%add3A_60, %dma_start3A_115] : memref<64x100000xf32, #tpu.memory_space<hbm>> -> memref<1x100000xf32, #tpu.memory_space<hbm>>
      %dma_start3A_117 = tpu.memref_squeeze %dma_start3A_116 : memref<1x100000xf32, #tpu.memory_space<hbm>> -> memref<100000xf32, #tpu.memory_space<hbm>>
      %dma_start3A_118 = arith.constant 0 : i32
      %dma_start3A_119 = tpu.memref_slice %arg3[%add3A_60, %dma_start3A_118] : memref<64x100000xf32, #tpu.memory_space<hbm>> -> memref<1x100000xf32, #tpu.memory_space<hbm>>
      %dma_start3A_120 = tpu.memref_squeeze %dma_start3A_119 : memref<1x100000xf32, #tpu.memory_space<hbm>> -> memref<100000xf32, #tpu.memory_space<hbm>>
      tpu.enqueue_dma source(%dma_start3A_120 : memref<100000xf32, #tpu.memory_space<hbm>>) target(%arg6 : memref<100000xf32, #tpu.memory_space<vmem>>) target_semaphore(%run_scoped3A : memref<!tpu.dma_semaphore, #tpu.memory_space<semaphore_mem>>)
      %dma_wait3A_121 = arith.constant 0 : i32
      %dma_wait3A_122 = tpu.memref_slice %arg3[%add3A_60, %dma_wait3A_121] : memref<64x100000xf32, #tpu.memory_space<hbm>> -> memref<1x100000xf32, #tpu.memory_space<hbm>>
      %dma_wait3A_123 = tpu.memref_squeeze %dma_wait3A_122 : memref<1x100000xf32, #tpu.memory_space<hbm>> -> memref<100000xf32, #tpu.memory_space<hbm>>
      %dma_wait3A_124 = arith.constant 0 : i32
      %dma_wait3A_125 = tpu.memref_slice %arg3[%add3A_60, %dma_wait3A_124] : memref<64x100000xf32, #tpu.memory_space<hbm>> -> memref<1x100000xf32, #tpu.memory_space<hbm>>
      %dma_wait3A_126 = tpu.memref_squeeze %dma_wait3A_125 : memref<1x100000xf32, #tpu.memory_space<hbm>> -> memref<100000xf32, #tpu.memory_space<hbm>>
      tpu.wait_dma2 semaphore(%run_scoped3A : memref<!tpu.dma_semaphore, #tpu.memory_space<semaphore_mem>>) src(%dma_wait3A_126 : memref<100000xf32, #tpu.memory_space<hbm>>) dst(%arg6 : memref<100000xf32, #tpu.memory_space<vmem>>)
      tpu.yield
    }) : () -> ()
    %dma_start3A_61 = arith.constant 0 : i32
    %dma_start3A_62 = arith.constant 0 : i32
    %dma_start3A_63 = arith.constant 0 : i32
    %dma_start3A_64 = tpu.memref_slice %arg7[%dma_start3A_61, %dma_start3A_63] : memref<2x2048xi32, #tpu.memory_space<vmem>> -> memref<1x2048xi32, #tpu.memory_space<vmem>>
    %dma_start3A_65 = tpu.memref_squeeze %dma_start3A_64 : memref<1x2048xi32, #tpu.memory_space<vmem>> -> memref<2048xi32, #tpu.memory_space<vmem>>
    %dma_start3A_66 = arith.constant 0 : i32
    %dma_start3A_67 = tpu.memref_slice %arg2[%dma_start3A_66] : memref<32768xi32, #tpu.memory_space<hbm>> -> memref<2048xi32, #tpu.memory_space<hbm>>
    %dma_start3A_68 = tpu.memref_slice %arg10[%dma_start3A_62] : memref<2x!tpu.dma_semaphore, #tpu.memory_space<semaphore_mem>> -> memref<1x!tpu.dma_semaphore, #tpu.memory_space<semaphore_mem>>
    %dma_start3A_69 = tpu.memref_squeeze %dma_start3A_68 : memref<1x!tpu.dma_semaphore, #tpu.memory_space<semaphore_mem>> -> memref<!tpu.dma_semaphore, #tpu.memory_space<semaphore_mem>>
    %dma_start3A_70 = arith.constant 0 : i32
    %dma_start3A_71 = tpu.memref_slice %arg7[%dma_start3A_61, %dma_start3A_70] : memref<2x2048xi32, #tpu.memory_space<vmem>> -> memref<1x2048xi32, #tpu.memory_space<vmem>>
    %dma_start3A_72 = tpu.memref_squeeze %dma_start3A_71 : memref<1x2048xi32, #tpu.memory_space<vmem>> -> memref<2048xi32, #tpu.memory_space<vmem>>
    %dma_start3A_73 = arith.constant 0 : i32
    %dma_start3A_74 = tpu.memref_slice %arg2[%dma_start3A_73] : memref<32768xi32, #tpu.memory_space<hbm>> -> memref<2048xi32, #tpu.memory_space<hbm>>
    tpu.enqueue_dma source(%dma_start3A_74 : memref<2048xi32, #tpu.memory_space<hbm>>) target(%dma_start3A_72 : memref<2048xi32, #tpu.memory_space<vmem>>) target_semaphore(%dma_start3A_69 : memref<!tpu.dma_semaphore, #tpu.memory_space<semaphore_mem>>)
    %scan3A_75 = arith.constant 0 : i32
    %scan3A_76 = arith.constant 0 : i32
    %scan3A_77 = arith.constant 8 : i32
    %scan3A_78 = arith.addi %scan3A_76, %scan3A_77 : i32
    %scan3A_79 = arith.constant 1 : i32
    scf.for %scan3A_115 = %scan3A_76 to %scan3A_78 step %scan3A_79  : i32 {
      %mul3A_116 = arith.constant 2 : i32
      %mul3A_117 = arith.muli %mul3A_116, %scan3A_115 : i32
      %add3A_118 = arith.constant 0 : i32
      %add3A_119 = arith.addi %mul3A_117, %add3A_118 : i32
      %add3A_120 = arith.constant 1 : i32
      %add3A_121 = arith.addi %add3A_119, %add3A_120 : i32
      %lt3A = arith.constant 16 : i32
      %lt3A_122 = arith.cmpi slt, %add3A_121, %lt3A : i32
      %convert_element_type3A = arith.extui %lt3A_122 : i1 to i32
      %cond3A = arith.constant 0 : i32
      %cond3A_123 = arith.cmpi ne, %convert_element_type3A, %cond3A : i32
      scf.if %cond3A_123 {
        %add3A_280 = arith.constant 1 : i32
        %add3A_281 = arith.addi %add3A_119, %add3A_280 : i32
        %mul3A_282 = arith.constant 2048 : i32
        %mul3A_283 = arith.muli %add3A_281, %mul3A_282 : i32
        %dma_start3A_284 = arith.constant 1 : i32
        %dma_start3A_285 = arith.constant 1 : i32
        %dma_start3A_286 = arith.constant 0 : i32
        %dma_start3A_287 = tpu.memref_slice %arg7[%dma_start3A_284, %dma_start3A_286] : memref<2x2048xi32, #tpu.memory_space<vmem>> -> memref<1x2048xi32, #tpu.memory_space<vmem>>
        %dma_start3A_288 = tpu.memref_squeeze %dma_start3A_287 : memref<1x2048xi32, #tpu.memory_space<vmem>> -> memref<2048xi32, #tpu.memory_space<vmem>>
        %dma_start3A_289 = tpu.memref_slice %arg2[%mul3A_283] : memref<32768xi32, #tpu.memory_space<hbm>> -> memref<2048xi32, #tpu.memory_space<hbm>>
        %dma_start3A_290 = tpu.memref_slice %arg10[%dma_start3A_285] : memref<2x!tpu.dma_semaphore, #tpu.memory_space<semaphore_mem>> -> memref<1x!tpu.dma_semaphore, #tpu.memory_space<semaphore_mem>>
        %dma_start3A_291 = tpu.memref_squeeze %dma_start3A_290 : memref<1x!tpu.dma_semaphore, #tpu.memory_space<semaphore_mem>> -> memref<!tpu.dma_semaphore, #tpu.memory_space<semaphore_mem>>
        %dma_start3A_292 = arith.constant 0 : i32
        %dma_start3A_293 = tpu.memref_slice %arg7[%dma_start3A_284, %dma_start3A_292] : memref<2x2048xi32, #tpu.memory_space<vmem>> -> memref<1x2048xi32, #tpu.memory_space<vmem>>
        %dma_start3A_294 = tpu.memref_squeeze %dma_start3A_293 : memref<1x2048xi32, #tpu.memory_space<vmem>> -> memref<2048xi32, #tpu.memory_space<vmem>>
        %dma_start3A_295 = tpu.memref_slice %arg2[%mul3A_283] : memref<32768xi32, #tpu.memory_space<hbm>> -> memref<2048xi32, #tpu.memory_space<hbm>>
        tpu.enqueue_dma source(%dma_start3A_295 : memref<2048xi32, #tpu.memory_space<hbm>>) target(%dma_start3A_294 : memref<2048xi32, #tpu.memory_space<vmem>>) target_semaphore(%dma_start3A_291 : memref<!tpu.dma_semaphore, #tpu.memory_space<semaphore_mem>>)
      } else {
      }
      %mul3A_124 = arith.constant 2048 : i32
      %mul3A_125 = arith.muli %add3A_119, %mul3A_124 : i32
      %dma_wait3A_126 = arith.constant 0 : i32
      %dma_wait3A_127 = arith.constant 0 : i32
      %dma_wait3A_128 = arith.constant 0 : i32
      %dma_wait3A_129 = tpu.memref_slice %arg7[%dma_wait3A_126, %dma_wait3A_128] : memref<2x2048xi32, #tpu.memory_space<vmem>> -> memref<1x2048xi32, #tpu.memory_space<vmem>>
      %dma_wait3A_130 = tpu.memref_squeeze %dma_wait3A_129 : memref<1x2048xi32, #tpu.memory_space<vmem>> -> memref<2048xi32, #tpu.memory_space<vmem>>
      %dma_wait3A_131 = tpu.memref_slice %arg2[%mul3A_125] : memref<32768xi32, #tpu.memory_space<hbm>> -> memref<2048xi32, #tpu.memory_space<hbm>>
      %dma_wait3A_132 = tpu.memref_slice %arg10[%dma_wait3A_127] : memref<2x!tpu.dma_semaphore, #tpu.memory_space<semaphore_mem>> -> memref<1x!tpu.dma_semaphore, #tpu.memory_space<semaphore_mem>>
      %dma_wait3A_133 = tpu.memref_squeeze %dma_wait3A_132 : memref<1x!tpu.dma_semaphore, #tpu.memory_space<semaphore_mem>> -> memref<!tpu.dma_semaphore, #tpu.memory_space<semaphore_mem>>
      %dma_wait3A_134 = arith.constant 0 : i32
      %dma_wait3A_135 = tpu.memref_slice %arg7[%dma_wait3A_126, %dma_wait3A_134] : memref<2x2048xi32, #tpu.memory_space<vmem>> -> memref<1x2048xi32, #tpu.memory_space<vmem>>
      %dma_wait3A_136 = tpu.memref_squeeze %dma_wait3A_135 : memref<1x2048xi32, #tpu.memory_space<vmem>> -> memref<2048xi32, #tpu.memory_space<vmem>>
      %dma_wait3A_137 = tpu.memref_slice %arg2[%mul3A_125] : memref<32768xi32, #tpu.memory_space<hbm>> -> memref<2048xi32, #tpu.memory_space<hbm>>
      tpu.wait_dma2 semaphore(%dma_wait3A_133 : memref<!tpu.dma_semaphore, #tpu.memory_space<semaphore_mem>>) src(%dma_wait3A_137 : memref<2048xi32, #tpu.memory_space<hbm>>) dst(%dma_wait3A_136 : memref<2048xi32, #tpu.memory_space<vmem>>)
      %ge3A = arith.constant 2 : i32
      %ge3A_138 = arith.cmpi sge, %add3A_119, %ge3A : i32
      %convert_element_type3A_139 = arith.extui %ge3A_138 : i1 to i32
      %cond3A_140 = arith.constant 0 : i32
      %cond3A_141 = arith.cmpi ne, %convert_element_type3A_139, %cond3A_140 : i32
      scf.if %cond3A_141 {
        %sub3A_280 = arith.constant 2 : i32
        %sub3A_281 = arith.subi %add3A_119, %sub3A_280 : i32
        %jit3A_282 = arith.constant 4 : i32
        %div3A_283 = arith.divsi %sub3A_281, %jit3A_282 : i32
        %sign3A_284 = arith.constant 0 : i32
        %sign3A_285 = arith.cmpi sgt, %sub3A_281, %sign3A_284 : i32
        %sign3A_286 = arith.extui %sign3A_285 : i1 to i32
        %sign3A_287 = arith.constant 0 : i32
        %sign3A_288 = arith.cmpi slt, %sub3A_281, %sign3A_287 : i32
        %sign3A_289 = arith.extui %sign3A_288 : i1 to i32
        %sign3A_290 = arith.subi %sign3A_286, %sign3A_289 : i32
        %sign3A_291 = arith.constant 0 : i32
        %sign3A_292 = arith.cmpi sgt, %jit3A_282, %sign3A_291 : i32
        %sign3A_293 = arith.extui %sign3A_292 : i1 to i32
        %sign3A_294 = arith.constant 0 : i32
        %sign3A_295 = arith.cmpi slt, %jit3A_282, %sign3A_294 : i32
        %sign3A_296 = arith.extui %sign3A_295 : i1 to i32
        %sign3A_297 = arith.subi %sign3A_293, %sign3A_296 : i32
        %ne3A_298 = arith.cmpi ne, %sign3A_290, %sign3A_297 : i32
        %rem3A_299 = arith.remsi %sub3A_281, %jit3A_282 : i32
        %ne3A_300 = arith.constant 0 : i32
        %ne3A_301 = arith.cmpi ne, %rem3A_299, %ne3A_300 : i32
        %and3A_302 = arith.andi %ne3A_298, %ne3A_301 : i1
        %sub3A_303 = arith.constant 1 : i32
        %sub3A_304 = arith.subi %div3A_283, %sub3A_303 : i32
        %select_n3A_305 = arith.select %and3A_302, %sub3A_304, %div3A_283 : i32
        %jit3A_306 = arith.constant 4 : i32
        %eq3A_307 = arith.constant 0 : i32
        %eq3A_308 = arith.cmpi eq, %jit3A_306, %eq3A_307 : i32
        %jit3A_309 = arith.constant 1 : i32
        %select_n3A_310 = arith.select %eq3A_308, %jit3A_309, %jit3A_306 : i32
        %rem3A_311 = arith.remsi %sub3A_281, %select_n3A_310 : i32
        %ne3A_312 = arith.constant 0 : i32
        %ne3A_313 = arith.cmpi ne, %rem3A_311, %ne3A_312 : i32
        %lt3A_314 = arith.constant 0 : i32
        %lt3A_315 = arith.cmpi slt, %rem3A_311, %lt3A_314 : i32
        %lt3A_316 = arith.constant 0 : i32
        %lt3A_317 = arith.cmpi slt, %select_n3A_310, %lt3A_316 : i32
        %ne3A_318 = arith.xori %lt3A_315, %lt3A_317 : i1
        %and3A_319 = arith.andi %ne3A_318, %ne3A_313 : i1
        %add3A_320 = arith.addi %rem3A_311, %select_n3A_310 : i32
        %select_n3A_321 = arith.select %and3A_319, %add3A_320, %rem3A_311 : i32
        %mul3A_322 = arith.constant 2048 : i32
        %mul3A_323 = arith.muli %select_n3A_321, %mul3A_322 : i32
        %dma_wait3A_324 = arith.constant 0 : i32
        %dma_wait3A_325 = arith.constant 0 : i32
        %dma_wait3A_326 = arith.constant 0 : i32
        %dma_wait3A_327 = tpu.memref_slice %arg8[%dma_wait3A_324, %dma_wait3A_326] : memref<2x2048xf32, #tpu.memory_space<vmem>> -> memref<1x2048xf32, #tpu.memory_space<vmem>>
        %dma_wait3A_328 = tpu.memref_squeeze %dma_wait3A_327 : memref<1x2048xf32, #tpu.memory_space<vmem>> -> memref<2048xf32, #tpu.memory_space<vmem>>
        %dma_wait3A_329 = tpu.memref_slice %arg5[%select_n3A_305, %add3A_60, %mul3A_323] : memref<4x64x8192xf32, #tpu.memory_space<hbm>> -> memref<1x1x2048xf32, #tpu.memory_space<hbm>>
        %dma_wait3A_330 = tpu.memref_squeeze %dma_wait3A_329 : memref<1x1x2048xf32, #tpu.memory_space<hbm>> -> memref<2048xf32, #tpu.memory_space<hbm>>
        %dma_wait3A_331 = tpu.memref_slice %arg11[%dma_wait3A_325] : memref<2x!tpu.dma_semaphore, #tpu.memory_space<semaphore_mem>> -> memref<1x!tpu.dma_semaphore, #tpu.memory_space<semaphore_mem>>
        %dma_wait3A_332 = tpu.memref_squeeze %dma_wait3A_331 : memref<1x!tpu.dma_semaphore, #tpu.memory_space<semaphore_mem>> -> memref<!tpu.dma_semaphore, #tpu.memory_space<semaphore_mem>>
        %dma_wait3A_333 = tpu.memref_slice %arg5[%select_n3A_305, %add3A_60, %mul3A_323] : memref<4x64x8192xf32, #tpu.memory_space<hbm>> -> memref<1x1x2048xf32, #tpu.memory_space<hbm>>
        %dma_wait3A_334 = tpu.memref_squeeze %dma_wait3A_333 : memref<1x1x2048xf32, #tpu.memory_space<hbm>> -> memref<2048xf32, #tpu.memory_space<hbm>>
        %dma_wait3A_335 = arith.constant 0 : i32
        %dma_wait3A_336 = tpu.memref_slice %arg8[%dma_wait3A_324, %dma_wait3A_335] : memref<2x2048xf32, #tpu.memory_space<vmem>> -> memref<1x2048xf32, #tpu.memory_space<vmem>>
        %dma_wait3A_337 = tpu.memref_squeeze %dma_wait3A_336 : memref<1x2048xf32, #tpu.memory_space<vmem>> -> memref<2048xf32, #tpu.memory_space<vmem>>
        tpu.wait_dma2 semaphore(%dma_wait3A_332 : memref<!tpu.dma_semaphore, #tpu.memory_space<semaphore_mem>>) src(%dma_wait3A_337 : memref<2048xf32, #tpu.memory_space<vmem>>) dst(%dma_wait3A_334 : memref<2048xf32, #tpu.memory_space<hbm>>)
      } else {
      }
      %parallel_loop3A = arith.constant 0 : i32
      %parallel_loop3A_142 = arith.constant 2048 : i32
      %parallel_loop3A_143 = arith.constant 16 : i32
      scf.for %parallel_loop3A_280 = %parallel_loop3A to %parallel_loop3A_142 step %parallel_loop3A_143  : i32 {
        %parallel_loop3A_281 = arith.constant 0 : i32
        %parallel_loop3A_282 = arith.index_cast %parallel_loop3A_281 : i32 to index
        %parallel_loop3A_283 = arith.index_cast %parallel_loop3A_280 : i32 to index
        %parallel_loop3A_284 = tpu.vector_load %arg7[%parallel_loop3A_282, %parallel_loop3A_283] {strides = array<i32>} : memref<2x2048xi32, #tpu.memory_space<vmem>>, vector<16xi32>,
        %parallel_loop3A_285 = tpu.vector_load_idx %arg6[%parallel_loop3A_284] : memref<100000xf32, #tpu.memory_space<vmem>>[vector<16xi32>], vector<16xf32>,
        %parallel_loop3A_286 = arith.mulf %parallel_loop3A_285, %get3A_1 : vector<16xf32>
        %parallel_loop3A_287 = arith.constant 0 : i32
        %parallel_loop3A_288 = arith.index_cast %parallel_loop3A_287 : i32 to index
        %parallel_loop3A_289 = arith.index_cast %parallel_loop3A_280 : i32 to index
        %parallel_loop3A_290 = tpu.vector_load %arg8[%parallel_loop3A_288, %parallel_loop3A_289] {strides = array<i32>} : memref<2x2048xf32, #tpu.memory_space<vmem>>, vector<16xf32>,
        tpu.vector_store %arg8[%parallel_loop3A_288, %parallel_loop3A_289], %parallel_loop3A_286 {strides = array<i32>} : memref<2x2048xf32, #tpu.memory_space<vmem>>, vector<16xf32>,
      } {sc.loop_unroll_factor = 8 : i64, sc.parallel_access}
      %jit3A = arith.constant 4 : i32
      %div3A = arith.divsi %add3A_119, %jit3A : i32
      %sign3A = arith.constant 0 : i32
      %sign3A_144 = arith.cmpi sgt, %add3A_119, %sign3A : i32
      %sign3A_145 = arith.extui %sign3A_144 : i1 to i32
      %sign3A_146 = arith.constant 0 : i32
      %sign3A_147 = arith.cmpi slt, %add3A_119, %sign3A_146 : i32
      %sign3A_148 = arith.extui %sign3A_147 : i1 to i32
      %sign3A_149 = arith.subi %sign3A_145, %sign3A_148 : i32
      %sign3A_150 = arith.constant 0 : i32
      %sign3A_151 = arith.cmpi sgt, %jit3A, %sign3A_150 : i32
      %sign3A_152 = arith.extui %sign3A_151 : i1 to i32
      %sign3A_153 = arith.constant 0 : i32
      %sign3A_154 = arith.cmpi slt, %jit3A, %sign3A_153 : i32
      %sign3A_155 = arith.extui %sign3A_154 : i1 to i32
      %sign3A_156 = arith.subi %sign3A_152, %sign3A_155 : i32
      %ne3A = arith.cmpi ne, %sign3A_149, %sign3A_156 : i32
      %rem3A = arith.remsi %add3A_119, %jit3A : i32
      %ne3A_157 = arith.constant 0 : i32
      %ne3A_158 = arith.cmpi ne, %rem3A, %ne3A_157 : i32
      %and3A = arith.andi %ne3A, %ne3A_158 : i1
      %sub3A = arith.constant 1 : i32
      %sub3A_159 = arith.subi %div3A, %sub3A : i32
      %select_n3A = arith.select %and3A, %sub3A_159, %div3A : i32
      %jit3A_160 = arith.constant 4 : i32
      %eq3A = arith.constant 0 : i32
      %eq3A_161 = arith.cmpi eq, %jit3A_160, %eq3A : i32
      %jit3A_162 = arith.constant 1 : i32
      %select_n3A_163 = arith.select %eq3A_161, %jit3A_162, %jit3A_160 : i32
      %rem3A_164 = arith.remsi %add3A_119, %select_n3A_163 : i32
      %ne3A_165 = arith.constant 0 : i32
      %ne3A_166 = arith.cmpi ne, %rem3A_164, %ne3A_165 : i32
      %lt3A_167 = arith.constant 0 : i32
      %lt3A_168 = arith.cmpi slt, %rem3A_164, %lt3A_167 : i32
      %lt3A_169 = arith.constant 0 : i32
      %lt3A_170 = arith.cmpi slt, %select_n3A_163, %lt3A_169 : i32
      %ne3A_171 = arith.xori %lt3A_168, %lt3A_170 : i1
      %and3A_172 = arith.andi %ne3A_171, %ne3A_166 : i1
      %add3A_173 = arith.addi %rem3A_164, %select_n3A_163 : i32
      %select_n3A_174 = arith.select %and3A_172, %add3A_173, %rem3A_164 : i32
      %mul3A_175 = arith.constant 2048 : i32
      %mul3A_176 = arith.muli %select_n3A_174, %mul3A_175 : i32
      %dma_start3A_177 = arith.constant 0 : i32
      %dma_start3A_178 = arith.constant 0 : i32
      %dma_start3A_179 = arith.constant 0 : i32
      %dma_start3A_180 = tpu.memref_slice %arg8[%dma_start3A_177, %dma_start3A_179] : memref<2x2048xf32, #tpu.memory_space<vmem>> -> memref<1x2048xf32, #tpu.memory_space<vmem>>
      %dma_start3A_181 = tpu.memref_squeeze %dma_start3A_180 : memref<1x2048xf32, #tpu.memory_space<vmem>> -> memref<2048xf32, #tpu.memory_space<vmem>>
      %dma_start3A_182 = tpu.memref_slice %arg5[%select_n3A, %add3A_60, %mul3A_176] : memref<4x64x8192xf32, #tpu.memory_space<hbm>> -> memref<1x1x2048xf32, #tpu.memory_space<hbm>>
      %dma_start3A_183 = tpu.memref_squeeze %dma_start3A_182 : memref<1x1x2048xf32, #tpu.memory_space<hbm>> -> memref<2048xf32, #tpu.memory_space<hbm>>
      %dma_start3A_184 = tpu.memref_slice %arg11[%dma_start3A_178] : memref<2x!tpu.dma_semaphore, #tpu.memory_space<semaphore_mem>> -> memref<1x!tpu.dma_semaphore, #tpu.memory_space<semaphore_mem>>
      %dma_start3A_185 = tpu.memref_squeeze %dma_start3A_184 : memref<1x!tpu.dma_semaphore, #tpu.memory_space<semaphore_mem>> -> memref<!tpu.dma_semaphore, #tpu.memory_space<semaphore_mem>>
      %dma_start3A_186 = tpu.memref_slice %arg5[%select_n3A, %add3A_60, %mul3A_176] : memref<4x64x8192xf32, #tpu.memory_space<hbm>> -> memref<1x1x2048xf32, #tpu.memory_space<hbm>>
      %dma_start3A_187 = tpu.memref_squeeze %dma_start3A_186 : memref<1x1x2048xf32, #tpu.memory_space<hbm>> -> memref<2048xf32, #tpu.memory_space<hbm>>
      %dma_start3A_188 = arith.constant 0 : i32
      %dma_start3A_189 = tpu.memref_slice %arg8[%dma_start3A_177, %dma_start3A_188] : memref<2x2048xf32, #tpu.memory_space<vmem>> -> memref<1x2048xf32, #tpu.memory_space<vmem>>
      %dma_start3A_190 = tpu.memref_squeeze %dma_start3A_189 : memref<1x2048xf32, #tpu.memory_space<vmem>> -> memref<2048xf32, #tpu.memory_space<vmem>>
      tpu.enqueue_dma source(%dma_start3A_190 : memref<2048xf32, #tpu.memory_space<vmem>>) target(%dma_start3A_187 : memref<2048xf32, #tpu.memory_space<hbm>>) target_semaphore(%dma_start3A_185 : memref<!tpu.dma_semaphore, #tpu.memory_space<semaphore_mem>>)
      %mul3A_191 = arith.constant 2 : i32
      %mul3A_192 = arith.muli %mul3A_191, %scan3A_115 : i32
      %add3A_193 = arith.constant 1 : i32
      %add3A_194 = arith.addi %mul3A_192, %add3A_193 : i32
      %add3A_195 = arith.constant 1 : i32
      %add3A_196 = arith.addi %add3A_194, %add3A_195 : i32
      %lt3A_197 = arith.constant 16 : i32
      %lt3A_198 = arith.cmpi slt, %add3A_196, %lt3A_197 : i32
      %convert_element_type3A_199 = arith.extui %lt3A_198 : i1 to i32
      %cond3A_200 = arith.constant 0 : i32
      %cond3A_201 = arith.cmpi ne, %convert_element_type3A_199, %cond3A_200 : i32
      scf.if %cond3A_201 {
        %add3A_280 = arith.constant 1 : i32
        %add3A_281 = arith.addi %add3A_194, %add3A_280 : i32
        %mul3A_282 = arith.constant 2048 : i32
        %mul3A_283 = arith.muli %add3A_281, %mul3A_282 : i32
        %dma_start3A_284 = arith.constant 0 : i32
        %dma_start3A_285 = arith.constant 0 : i32
        %dma_start3A_286 = arith.constant 0 : i32
        %dma_start3A_287 = tpu.memref_slice %arg7[%dma_start3A_284, %dma_start3A_286] : memref<2x2048xi32, #tpu.memory_space<vmem>> -> memref<1x2048xi32, #tpu.memory_space<vmem>>
        %dma_start3A_288 = tpu.memref_squeeze %dma_start3A_287 : memref<1x2048xi32, #tpu.memory_space<vmem>> -> memref<2048xi32, #tpu.memory_space<vmem>>
        %dma_start3A_289 = tpu.memref_slice %arg2[%mul3A_283] : memref<32768xi32, #tpu.memory_space<hbm>> -> memref<2048xi32, #tpu.memory_space<hbm>>
        %dma_start3A_290 = tpu.memref_slice %arg10[%dma_start3A_285] : memref<2x!tpu.dma_semaphore, #tpu.memory_space<semaphore_mem>> -> memref<1x!tpu.dma_semaphore, #tpu.memory_space<semaphore_mem>>
        %dma_start3A_291 = tpu.memref_squeeze %dma_start3A_290 : memref<1x!tpu.dma_semaphore, #tpu.memory_space<semaphore_mem>> -> memref<!tpu.dma_semaphore, #tpu.memory_space<semaphore_mem>>
        %dma_start3A_292 = arith.constant 0 : i32
        %dma_start3A_293 = tpu.memref_slice %arg7[%dma_start3A_284, %dma_start3A_292] : memref<2x2048xi32, #tpu.memory_space<vmem>> -> memref<1x2048xi32, #tpu.memory_space<vmem>>
        %dma_start3A_294 = tpu.memref_squeeze %dma_start3A_293 : memref<1x2048xi32, #tpu.memory_space<vmem>> -> memref<2048xi32, #tpu.memory_space<vmem>>
        %dma_start3A_295 = tpu.memref_slice %arg2[%mul3A_283] : memref<32768xi32, #tpu.memory_space<hbm>> -> memref<2048xi32, #tpu.memory_space<hbm>>
        tpu.enqueue_dma source(%dma_start3A_295 : memref<2048xi32, #tpu.memory_space<hbm>>) target(%dma_start3A_294 : memref<2048xi32, #tpu.memory_space<vmem>>) target_semaphore(%dma_start3A_291 : memref<!tpu.dma_semaphore, #tpu.memory_space<semaphore_mem>>)
      } else {
      }
      %mul3A_202 = arith.constant 2048 : i32
      %mul3A_203 = arith.muli %add3A_194, %mul3A_202 : i32
      %dma_wait3A_204 = arith.constant 1 : i32
      %dma_wait3A_205 = arith.constant 1 : i32
      %dma_wait3A_206 = arith.constant 0 : i32
      %dma_wait3A_207 = tpu.memref_slice %arg7[%dma_wait3A_204, %dma_wait3A_206] : memref<2x2048xi32, #tpu.memory_space<vmem>> -> memref<1x2048xi32, #tpu.memory_space<vmem>>
      %dma_wait3A_208 = tpu.memref_squeeze %dma_wait3A_207 : memref<1x2048xi32, #tpu.memory_space<vmem>> -> memref<2048xi32, #tpu.memory_space<vmem>>
      %dma_wait3A_209 = tpu.memref_slice %arg2[%mul3A_203] : memref<32768xi32, #tpu.memory_space<hbm>> -> memref<2048xi32, #tpu.memory_space<hbm>>
      %dma_wait3A_210 = tpu.memref_slice %arg10[%dma_wait3A_205] : memref<2x!tpu.dma_semaphore, #tpu.memory_space<semaphore_mem>> -> memref<1x!tpu.dma_semaphore, #tpu.memory_space<semaphore_mem>>
      %dma_wait3A_211 = tpu.memref_squeeze %dma_wait3A_210 : memref<1x!tpu.dma_semaphore, #tpu.memory_space<semaphore_mem>> -> memref<!tpu.dma_semaphore, #tpu.memory_space<semaphore_mem>>
      %dma_wait3A_212 = arith.constant 0 : i32
      %dma_wait3A_213 = tpu.memref_slice %arg7[%dma_wait3A_204, %dma_wait3A_212] : memref<2x2048xi32, #tpu.memory_space<vmem>> -> memref<1x2048xi32, #tpu.memory_space<vmem>>
      %dma_wait3A_214 = tpu.memref_squeeze %dma_wait3A_213 : memref<1x2048xi32, #tpu.memory_space<vmem>> -> memref<2048xi32, #tpu.memory_space<vmem>>
      %dma_wait3A_215 = tpu.memref_slice %arg2[%mul3A_203] : memref<32768xi32, #tpu.memory_space<hbm>> -> memref<2048xi32, #tpu.memory_space<hbm>>
      tpu.wait_dma2 semaphore(%dma_wait3A_211 : memref<!tpu.dma_semaphore, #tpu.memory_space<semaphore_mem>>) src(%dma_wait3A_215 : memref<2048xi32, #tpu.memory_space<hbm>>) dst(%dma_wait3A_214 : memref<2048xi32, #tpu.memory_space<vmem>>)
      %ge3A_216 = arith.constant 2 : i32
      %ge3A_217 = arith.cmpi sge, %add3A_194, %ge3A_216 : i32
      %convert_element_type3A_218 = arith.extui %ge3A_217 : i1 to i32
      %cond3A_219 = arith.constant 0 : i32
      %cond3A_220 = arith.cmpi ne, %convert_element_type3A_218, %cond3A_219 : i32
      scf.if %cond3A_220 {
        %sub3A_280 = arith.constant 2 : i32
        %sub3A_281 = arith.subi %add3A_194, %sub3A_280 : i32
        %jit3A_282 = arith.constant 4 : i32
        %div3A_283 = arith.divsi %sub3A_281, %jit3A_282 : i32
        %sign3A_284 = arith.constant 0 : i32
        %sign3A_285 = arith.cmpi sgt, %sub3A_281, %sign3A_284 : i32
        %sign3A_286 = arith.extui %sign3A_285 : i1 to i32
        %sign3A_287 = arith.constant 0 : i32
        %sign3A_288 = arith.cmpi slt, %sub3A_281, %sign3A_287 : i32
        %sign3A_289 = arith.extui %sign3A_288 : i1 to i32
        %sign3A_290 = arith.subi %sign3A_286, %sign3A_289 : i32
        %sign3A_291 = arith.constant 0 : i32
        %sign3A_292 = arith.cmpi sgt, %jit3A_282, %sign3A_291 : i32
        %sign3A_293 = arith.extui %sign3A_292 : i1 to i32
        %sign3A_294 = arith.constant 0 : i32
        %sign3A_295 = arith.cmpi slt, %jit3A_282, %sign3A_294 : i32
        %sign3A_296 = arith.extui %sign3A_295 : i1 to i32
        %sign3A_297 = arith.subi %sign3A_293, %sign3A_296 : i32
        %ne3A_298 = arith.cmpi ne, %sign3A_290, %sign3A_297 : i32
        %rem3A_299 = arith.remsi %sub3A_281, %jit3A_282 : i32
        %ne3A_300 = arith.constant 0 : i32
        %ne3A_301 = arith.cmpi ne, %rem3A_299, %ne3A_300 : i32
        %and3A_302 = arith.andi %ne3A_298, %ne3A_301 : i1
        %sub3A_303 = arith.constant 1 : i32
        %sub3A_304 = arith.subi %div3A_283, %sub3A_303 : i32
        %select_n3A_305 = arith.select %and3A_302, %sub3A_304, %div3A_283 : i32
        %jit3A_306 = arith.constant 4 : i32
        %eq3A_307 = arith.constant 0 : i32
        %eq3A_308 = arith.cmpi eq, %jit3A_306, %eq3A_307 : i32
        %jit3A_309 = arith.constant 1 : i32
        %select_n3A_310 = arith.select %eq3A_308, %jit3A_309, %jit3A_306 : i32
        %rem3A_311 = arith.remsi %sub3A_281, %select_n3A_310 : i32
        %ne3A_312 = arith.constant 0 : i32
        %ne3A_313 = arith.cmpi ne, %rem3A_311, %ne3A_312 : i32
        %lt3A_314 = arith.constant 0 : i32
        %lt3A_315 = arith.cmpi slt, %rem3A_311, %lt3A_314 : i32
        %lt3A_316 = arith.constant 0 : i32
        %lt3A_317 = arith.cmpi slt, %select_n3A_310, %lt3A_316 : i32
        %ne3A_318 = arith.xori %lt3A_315, %lt3A_317 : i1
        %and3A_319 = arith.andi %ne3A_318, %ne3A_313 : i1
        %add3A_320 = arith.addi %rem3A_311, %select_n3A_310 : i32
        %select_n3A_321 = arith.select %and3A_319, %add3A_320, %rem3A_311 : i32
        %mul3A_322 = arith.constant 2048 : i32
        %mul3A_323 = arith.muli %select_n3A_321, %mul3A_322 : i32
        %dma_wait3A_324 = arith.constant 1 : i32
        %dma_wait3A_325 = arith.constant 1 : i32
        %dma_wait3A_326 = arith.constant 0 : i32
        %dma_wait3A_327 = tpu.memref_slice %arg8[%dma_wait3A_324, %dma_wait3A_326] : memref<2x2048xf32, #tpu.memory_space<vmem>> -> memref<1x2048xf32, #tpu.memory_space<vmem>>
        %dma_wait3A_328 = tpu.memref_squeeze %dma_wait3A_327 : memref<1x2048xf32, #tpu.memory_space<vmem>> -> memref<2048xf32, #tpu.memory_space<vmem>>
        %dma_wait3A_329 = tpu.memref_slice %arg5[%select_n3A_305, %add3A_60, %mul3A_323] : memref<4x64x8192xf32, #tpu.memory_space<hbm>> -> memref<1x1x2048xf32, #tpu.memory_space<hbm>>
        %dma_wait3A_330 = tpu.memref_squeeze %dma_wait3A_329 : memref<1x1x2048xf32, #tpu.memory_space<hbm>> -> memref<2048xf32, #tpu.memory_space<hbm>>
        %dma_wait3A_331 = tpu.memref_slice %arg11[%dma_wait3A_325] : memref<2x!tpu.dma_semaphore, #tpu.memory_space<semaphore_mem>> -> memref<1x!tpu.dma_semaphore, #tpu.memory_space<semaphore_mem>>
        %dma_wait3A_332 = tpu.memref_squeeze %dma_wait3A_331 : memref<1x!tpu.dma_semaphore, #tpu.memory_space<semaphore_mem>> -> memref<!tpu.dma_semaphore, #tpu.memory_space<semaphore_mem>>
        %dma_wait3A_333 = tpu.memref_slice %arg5[%select_n3A_305, %add3A_60, %mul3A_323] : memref<4x64x8192xf32, #tpu.memory_space<hbm>> -> memref<1x1x2048xf32, #tpu.memory_space<hbm>>
        %dma_wait3A_334 = tpu.memref_squeeze %dma_wait3A_333 : memref<1x1x2048xf32, #tpu.memory_space<hbm>> -> memref<2048xf32, #tpu.memory_space<hbm>>
        %dma_wait3A_335 = arith.constant 0 : i32
        %dma_wait3A_336 = tpu.memref_slice %arg8[%dma_wait3A_324, %dma_wait3A_335] : memref<2x2048xf32, #tpu.memory_space<vmem>> -> memref<1x2048xf32, #tpu.memory_space<vmem>>
        %dma_wait3A_337 = tpu.memref_squeeze %dma_wait3A_336 : memref<1x2048xf32, #tpu.memory_space<vmem>> -> memref<2048xf32, #tpu.memory_space<vmem>>
        tpu.wait_dma2 semaphore(%dma_wait3A_332 : memref<!tpu.dma_semaphore, #tpu.memory_space<semaphore_mem>>) src(%dma_wait3A_337 : memref<2048xf32, #tpu.memory_space<vmem>>) dst(%dma_wait3A_334 : memref<2048xf32, #tpu.memory_space<hbm>>)
      } else {
      }
      %parallel_loop3A_221 = arith.constant 0 : i32
      %parallel_loop3A_222 = arith.constant 2048 : i32
      %parallel_loop3A_223 = arith.constant 16 : i32
      scf.for %parallel_loop3A_280 = %parallel_loop3A_221 to %parallel_loop3A_222 step %parallel_loop3A_223  : i32 {
        %parallel_loop3A_281 = arith.constant 1 : i32
        %parallel_loop3A_282 = arith.index_cast %parallel_loop3A_281 : i32 to index
        %parallel_loop3A_283 = arith.index_cast %parallel_loop3A_280 : i32 to index
        %parallel_loop3A_284 = tpu.vector_load %arg7[%parallel_loop3A_282, %parallel_loop3A_283] {strides = array<i32>} : memref<2x2048xi32, #tpu.memory_space<vmem>>, vector<16xi32>,
        %parallel_loop3A_285 = tpu.vector_load_idx %arg6[%parallel_loop3A_284] : memref<100000xf32, #tpu.memory_space<vmem>>[vector<16xi32>], vector<16xf32>,
        %parallel_loop3A_286 = arith.mulf %parallel_loop3A_285, %get3A_1 : vector<16xf32>
        %parallel_loop3A_287 = arith.constant 1 : i32
        %parallel_loop3A_288 = arith.index_cast %parallel_loop3A_287 : i32 to index
        %parallel_loop3A_289 = arith.index_cast %parallel_loop3A_280 : i32 to index
        %parallel_loop3A_290 = tpu.vector_load %arg8[%parallel_loop3A_288, %parallel_loop3A_289] {strides = array<i32>} : memref<2x2048xf32, #tpu.memory_space<vmem>>, vector<16xf32>,
        tpu.vector_store %arg8[%parallel_loop3A_288, %parallel_loop3A_289], %parallel_loop3A_286 {strides = array<i32>} : memref<2x2048xf32, #tpu.memory_space<vmem>>, vector<16xf32>,
      } {sc.loop_unroll_factor = 8 : i64, sc.parallel_access}
      %jit3A_224 = arith.constant 4 : i32
      %div3A_225 = arith.divsi %add3A_194, %jit3A_224 : i32
      %sign3A_226 = arith.constant 0 : i32
      %sign3A_227 = arith.cmpi sgt, %add3A_194, %sign3A_226 : i32
      %sign3A_228 = arith.extui %sign3A_227 : i1 to i32
      %sign3A_229 = arith.constant 0 : i32
      %sign3A_230 = arith.cmpi slt, %add3A_194, %sign3A_229 : i32
      %sign3A_231 = arith.extui %sign3A_230 : i1 to i32
      %sign3A_232 = arith.subi %sign3A_228, %sign3A_231 : i32
      %sign3A_233 = arith.constant 0 : i32
      %sign3A_234 = arith.cmpi sgt, %jit3A_224, %sign3A_233 : i32
      %sign3A_235 = arith.extui %sign3A_234 : i1 to i32
      %sign3A_236 = arith.constant 0 : i32
      %sign3A_237 = arith.cmpi slt, %jit3A_224, %sign3A_236 : i32
      %sign3A_238 = arith.extui %sign3A_237 : i1 to i32
      %sign3A_239 = arith.subi %sign3A_235, %sign3A_238 : i32
      %ne3A_240 = arith.cmpi ne, %sign3A_232, %sign3A_239 : i32
      %rem3A_241 = arith.remsi %add3A_194, %jit3A_224 : i32
      %ne3A_242 = arith.constant 0 : i32
      %ne3A_243 = arith.cmpi ne, %rem3A_241, %ne3A_242 : i32
      %and3A_244 = arith.andi %ne3A_240, %ne3A_243 : i1
      %sub3A_245 = arith.constant 1 : i32
      %sub3A_246 = arith.subi %div3A_225, %sub3A_245 : i32
      %select_n3A_247 = arith.select %and3A_244, %sub3A_246, %div3A_225 : i32
      %jit3A_248 = arith.constant 4 : i32
      %eq3A_249 = arith.constant 0 : i32
      %eq3A_250 = arith.cmpi eq, %jit3A_248, %eq3A_249 : i32
      %jit3A_251 = arith.constant 1 : i32
      %select_n3A_252 = arith.select %eq3A_250, %jit3A_251, %jit3A_248 : i32
      %rem3A_253 = arith.remsi %add3A_194, %select_n3A_252 : i32
      %ne3A_254 = arith.constant 0 : i32
      %ne3A_255 = arith.cmpi ne, %rem3A_253, %ne3A_254 : i32
      %lt3A_256 = arith.constant 0 : i32
      %lt3A_257 = arith.cmpi slt, %rem3A_253, %lt3A_256 : i32
      %lt3A_258 = arith.constant 0 : i32
      %lt3A_259 = arith.cmpi slt, %select_n3A_252, %lt3A_258 : i32
      %ne3A_260 = arith.xori %lt3A_257, %lt3A_259 : i1
      %and3A_261 = arith.andi %ne3A_260, %ne3A_255 : i1
      %add3A_262 = arith.addi %rem3A_253, %select_n3A_252 : i32
      %select_n3A_263 = arith.select %and3A_261, %add3A_262, %rem3A_253 : i32
      %mul3A_264 = arith.constant 2048 : i32
      %mul3A_265 = arith.muli %select_n3A_263, %mul3A_264 : i32
      %dma_start3A_266 = arith.constant 1 : i32
      %dma_start3A_267 = arith.constant 1 : i32
      %dma_start3A_268 = arith.constant 0 : i32
      %dma_start3A_269 = tpu.memref_slice %arg8[%dma_start3A_266, %dma_start3A_268] : memref<2x2048xf32, #tpu.memory_space<vmem>> -> memref<1x2048xf32, #tpu.memory_space<vmem>>
      %dma_start3A_270 = tpu.memref_squeeze %dma_start3A_269 : memref<1x2048xf32, #tpu.memory_space<vmem>> -> memref<2048xf32, #tpu.memory_space<vmem>>
      %dma_start3A_271 = tpu.memref_slice %arg5[%select_n3A_247, %add3A_60, %mul3A_265] : memref<4x64x8192xf32, #tpu.memory_space<hbm>> -> memref<1x1x2048xf32, #tpu.memory_space<hbm>>
      %dma_start3A_272 = tpu.memref_squeeze %dma_start3A_271 : memref<1x1x2048xf32, #tpu.memory_space<hbm>> -> memref<2048xf32, #tpu.memory_space<hbm>>
      %dma_start3A_273 = tpu.memref_slice %arg11[%dma_start3A_267] : memref<2x!tpu.dma_semaphore, #tpu.memory_space<semaphore_mem>> -> memref<1x!tpu.dma_semaphore, #tpu.memory_space<semaphore_mem>>
      %dma_start3A_274 = tpu.memref_squeeze %dma_start3A_273 : memref<1x!tpu.dma_semaphore, #tpu.memory_space<semaphore_mem>> -> memref<!tpu.dma_semaphore, #tpu.memory_space<semaphore_mem>>
      %dma_start3A_275 = tpu.memref_slice %arg5[%select_n3A_247, %add3A_60, %mul3A_265] : memref<4x64x8192xf32, #tpu.memory_space<hbm>> -> memref<1x1x2048xf32, #tpu.memory_space<hbm>>
      %dma_start3A_276 = tpu.memref_squeeze %dma_start3A_275 : memref<1x1x2048xf32, #tpu.memory_space<hbm>> -> memref<2048xf32, #tpu.memory_space<hbm>>
      %dma_start3A_277 = arith.constant 0 : i32
      %dma_start3A_278 = tpu.memref_slice %arg8[%dma_start3A_266, %dma_start3A_277] : memref<2x2048xf32, #tpu.memory_space<vmem>> -> memref<1x2048xf32, #tpu.memory_space<vmem>>
      %dma_start3A_279 = tpu.memref_squeeze %dma_start3A_278 : memref<1x2048xf32, #tpu.memory_space<vmem>> -> memref<2048xf32, #tpu.memory_space<vmem>>
      tpu.enqueue_dma source(%dma_start3A_279 : memref<2048xf32, #tpu.memory_space<vmem>>) target(%dma_start3A_276 : memref<2048xf32, #tpu.memory_space<hbm>>) target_semaphore(%dma_start3A_274 : memref<!tpu.dma_semaphore, #tpu.memory_space<semaphore_mem>>)
    }
    %scan3A_80 = arith.constant 8 : i32
    %dma_wait3A_81 = arith.constant 0 : i32
    %dma_wait3A_82 = arith.constant 3 : i32
    %dma_wait3A_83 = arith.constant 0 : i32
    %dma_wait3A_84 = arith.constant 0 : i32
    %dma_wait3A_85 = tpu.memref_slice %arg8[%dma_wait3A_81, %dma_wait3A_84] : memref<2x2048xf32, #tpu.memory_space<vmem>> -> memref<1x2048xf32, #tpu.memory_space<vmem>>
    %dma_wait3A_86 = tpu.memref_squeeze %dma_wait3A_85 : memref<1x2048xf32, #tpu.memory_space<vmem>> -> memref<2048xf32, #tpu.memory_space<vmem>>
    %dma_wait3A_87 = arith.constant 4096 : i32
    %dma_wait3A_88 = tpu.memref_slice %arg5[%dma_wait3A_82, %add3A_60, %dma_wait3A_87] : memref<4x64x8192xf32, #tpu.memory_space<hbm>> -> memref<1x1x2048xf32, #tpu.memory_space<hbm>>
    %dma_wait3A_89 = tpu.memref_squeeze %dma_wait3A_88 : memref<1x1x2048xf32, #tpu.memory_space<hbm>> -> memref<2048xf32, #tpu.memory_space<hbm>>
    %dma_wait3A_90 = tpu.memref_slice %arg11[%dma_wait3A_83] : memref<2x!tpu.dma_semaphore, #tpu.memory_space<semaphore_mem>> -> memref<1x!tpu.dma_semaphore, #tpu.memory_space<semaphore_mem>>
    %dma_wait3A_91 = tpu.memref_squeeze %dma_wait3A_90 : memref<1x!tpu.dma_semaphore, #tpu.memory_space<semaphore_mem>> -> memref<!tpu.dma_semaphore, #tpu.memory_space<semaphore_mem>>
    %dma_wait3A_92 = arith.constant 4096 : i32
    %dma_wait3A_93 = tpu.memref_slice %arg5[%dma_wait3A_82, %add3A_60, %dma_wait3A_92] : memref<4x64x8192xf32, #tpu.memory_space<hbm>> -> memref<1x1x2048xf32, #tpu.memory_space<hbm>>
    %dma_wait3A_94 = tpu.memref_squeeze %dma_wait3A_93 : memref<1x1x2048xf32, #tpu.memory_space<hbm>> -> memref<2048xf32, #tpu.memory_space<hbm>>
    %dma_wait3A_95 = arith.constant 0 : i32
    %dma_wait3A_96 = tpu.memref_slice %arg8[%dma_wait3A_81, %dma_wait3A_95] : memref<2x2048xf32, #tpu.memory_space<vmem>> -> memref<1x2048xf32, #tpu.memory_space<vmem>>
    %dma_wait3A_97 = tpu.memref_squeeze %dma_wait3A_96 : memref<1x2048xf32, #tpu.memory_space<vmem>> -> memref<2048xf32, #tpu.memory_space<vmem>>
    tpu.wait_dma2 semaphore(%dma_wait3A_91 : memref<!tpu.dma_semaphore, #tpu.memory_space<semaphore_mem>>) src(%dma_wait3A_97 : memref<2048xf32, #tpu.memory_space<vmem>>) dst(%dma_wait3A_94 : memref<2048xf32, #tpu.memory_space<hbm>>)
    %dma_wait3A_98 = arith.constant 1 : i32
    %dma_wait3A_99 = arith.constant 3 : i32
    %dma_wait3A_100 = arith.constant 1 : i32
    %dma_wait3A_101 = arith.constant 0 : i32
    %dma_wait3A_102 = tpu.memref_slice %arg8[%dma_wait3A_98, %dma_wait3A_101] : memref<2x2048xf32, #tpu.memory_space<vmem>> -> memref<1x2048xf32, #tpu.memory_space<vmem>>
    %dma_wait3A_103 = tpu.memref_squeeze %dma_wait3A_102 : memref<1x2048xf32, #tpu.memory_space<vmem>> -> memref<2048xf32, #tpu.memory_space<vmem>>
    %dma_wait3A_104 = arith.constant 6144 : i32
    %dma_wait3A_105 = tpu.memref_slice %arg5[%dma_wait3A_99, %add3A_60, %dma_wait3A_104] : memref<4x64x8192xf32, #tpu.memory_space<hbm>> -> memref<1x1x2048xf32, #tpu.memory_space<hbm>>
    %dma_wait3A_106 = tpu.memref_squeeze %dma_wait3A_105 : memref<1x1x2048xf32, #tpu.memory_space<hbm>> -> memref<2048xf32, #tpu.memory_space<hbm>>
    %dma_wait3A_107 = tpu.memref_slice %arg11[%dma_wait3A_100] : memref<2x!tpu.dma_semaphore, #tpu.memory_space<semaphore_mem>> -> memref<1x!tpu.dma_semaphore, #tpu.memory_space<semaphore_mem>>
    %dma_wait3A_108 = tpu.memref_squeeze %dma_wait3A_107 : memref<1x!tpu.dma_semaphore, #tpu.memory_space<semaphore_mem>> -> memref<!tpu.dma_semaphore, #tpu.memory_space<semaphore_mem>>
    %dma_wait3A_109 = arith.constant 6144 : i32
    %dma_wait3A_110 = tpu.memref_slice %arg5[%dma_wait3A_99, %add3A_60, %dma_wait3A_109] : memref<4x64x8192xf32, #tpu.memory_space<hbm>> -> memref<1x1x2048xf32, #tpu.memory_space<hbm>>
    %dma_wait3A_111 = tpu.memref_squeeze %dma_wait3A_110 : memref<1x1x2048xf32, #tpu.memory_space<hbm>> -> memref<2048xf32, #tpu.memory_space<hbm>>
    %dma_wait3A_112 = arith.constant 0 : i32
    %dma_wait3A_113 = tpu.memref_slice %arg8[%dma_wait3A_98, %dma_wait3A_112] : memref<2x2048xf32, #tpu.memory_space<vmem>> -> memref<1x2048xf32, #tpu.memory_space<vmem>>
    %dma_wait3A_114 = tpu.memref_squeeze %dma_wait3A_113 : memref<1x2048xf32, #tpu.memory_space<vmem>> -> memref<2048xf32, #tpu.memory_space<vmem>>
    tpu.wait_dma2 semaphore(%dma_wait3A_108 : memref<!tpu.dma_semaphore, #tpu.memory_space<semaphore_mem>>) src(%dma_wait3A_114 : memref<2048xf32, #tpu.memory_space<vmem>>) dst(%dma_wait3A_111 : memref<2048xf32, #tpu.memory_space<hbm>>)
    return
  }
}

</mosaic_0001>

<sc_bundles>
// kernel: kernel.3.cloned.1.call-start
scs
__scs_entry_jumppad:
0x0: {  	(pc) =	sbr.rel $0x88, $3  }
0x1: {  	(tag) =	ssettag $0x0;
	lr =	simm.s32 $0x1  }
0x2: {  	[smem:$0x3F9E] =	sst lr;
	_ =	strace $0xD0000000  }
0x3: {  	_ = 	snop  }
0x4: {  	_ = 	snop  }
0x5: {  	_ = 	snop  }
0x6: {  	_ = 	snop  }
0x7: {  	_ = 	snop  }
__scs_overlays_trampoline_lowered:
0x8: {  	[smem:$0x3FAD] =	sst s0  }
0x9: {  	[smem:$0x3FAE] =	sst s1  }
0xa: {  	[smem:$0x3FAF] =	sst s2  }
0xb: {  	[smem:$0x3FB0] =	sst s3  }
0xc: {  	[smem:$0x3FB1] =	sst s4  }
0xd: {  	[smem:$0x3FB2] =	sst s5  }
0xe: {  	[smem:$0x3FB3] =	sst s6  }
0xf: {  	[smem:$0x3FB4] =	sst s7  }
0x10: {  	[smem:$0x3FB5] =	sst s8  }
0x11: {  	[smem:$0x3FB6] =	sst s9;
	s0 =	simm.s32 @!p0 $0x0  }
0x12: {  	s1 =	sld [smem:$0x3F9C];
	s0 =	simm.s32 @p0 $0x1  }
0x13: {  	[smem:$0x3FB7] =	sst s0;
	s0 =	simm.s32 @!p1 $0x0  }
0x14: {  	s2 =	sld [smem:$0x3F9B];
	s0 =	simm.s32 @p1 $0x1  }
0x15: {  	[smem:$0x3FB8] =	sst s0;
	s0 =	simm.s32 @!p2 $0x0  }
0x16: {  	s3 =	sld [smem:$0x3FDB];
	s0 =	simm.s32 @p2 $0x1  }
0x17: {  	s4 =	simm.s32 $0x1BF5;
	[smem:$0x3FBA] =	sst s0  }
0x18: {  	s0 =	sld [smem:$0x3F9D];
	_ =	swait.ge [sflag:s4], $0x0  }
0x19: {  	s7 =	sld [smem:$0x3F9E]  }
0x1a: {  	s8 =	sadd.s32 $0xFFFFE003, lr  }
0x1b: {  	s9 =	sadd.s32 $0xFFFFFEF7, lr;
	s5 =	simm.s32 $0xFFFFFFFF;
	p2 =	slt.u32 s8, $0xFFFFF086  }
0x1c: {  	p1 =	slt.u32 s9, $0xF7A;
	s5 =	simm.s32 @!p2 $0x0  }
0x1d: {  	s5 =	simm.s32 @p1 $0x1;
	p0 =	seq.s32 s7, s2  }
0x1e: {  	s7 =	smul.u32 @!p0 $0xF7A, s2;
	p2 =	seq.s32 @!p0 s5, $0x0  }
0x1f: {  	s9 =	smul.u32 $0xF7A, s1;
	s8 =	simm.s32 @!p0 $0x1BF5;
	p2 =	por !p2, p0  }
0x20: {  	[sflag:s8] =	ssyncset.s32 @!p0 $0xFFFFF086;
	s6 =	sadd.s32 @!p0 s3, s7;
	s7 =	simm.s32 @!p0 $0x108  }
0x21: {  	s3 =	sadd.s32 s3, s9;
	s6 =	sadd.s32 @!p0 $0x88, s6;
	s7 =	simm.s32 @p2 $0x1082  }
0x22: {  	[simem:s7], [sflag:s8] =	dma.local @!p0 [hbm:s6], $0xF7A  }
0x23: {  	s9 =	sor.u32 $0xD0000000, s2;
	s6 =	simm.s32 $0x108;
	_ =	swait.ge @!p0 [sflag:s8], $0x0  }
0x24: {  	s3 =	sadd.s32 $0x88, s3;
	s6 =	simm.s32 @!p1 $0x1082;
	[sflag:s4] =	ssyncset.s32 $0xFFFFF086  }
0x25: {  	[simem:s6], [sflag:s4] =	dma.local [hbm:s3], $0xF7A  }
0x26: {  	[smem:$0x3F9E] =	sst s1;
	(tag) =	ssettag s2;
	_ =	strace s9  }
0x27: {  	s1 =	sld [smem:$0x3FAE]  }
0x28: {  	s2 =	sld [smem:$0x3FAF]  }
0x29: {  	s4 =	sld [smem:$0x3FB1]  }
0x2a: {  	p0 =	seq.s32 s5, $0x0;
	s5 =	sld [smem:$0x3FB2]  }
0x2b: {  	s6 =	sld [smem:$0x3FB3]  }
0x2c: {  	s7 =	sld [smem:$0x3FB4]  }
0x2d: {  	s3 =	simm.s32 $0x108;
	s8 =	sld [smem:$0x3FB5]  }
0x2e: {  	s3 =	simm.s32 @!p0 $0x1082;
	s9 =	sld [smem:$0x3FB6]  }
0x2f: {  	lr =	sadd.s32 s0, s3;
	s0 =	sld [smem:$0x3FAD]  }
0x30: {  	s3 =	sld [smem:$0x3FB0]  }
0x31: {  	[smem:$0x3FB9] =	sst s10  }
0x32: {  	s10 =	sld [smem:$0x3FB7];
	_ =	sdelay $0x3  }
0x33: {  	p0 =	seq.s32 s10, $0x1;
	s10 =	sld [smem:$0x3FB9];
	_ =	sdelay $0x3  }
0x34: {  	[smem:$0x3FB9] =	sst s10  }
0x35: {  	s10 =	sld [smem:$0x3FB8];
	_ =	sdelay $0x3  }
0x36: {  	p1 =	seq.s32 s10, $0x1;
	s10 =	sld [smem:$0x3FB9];
	_ =	sdelay $0x3  }
0x37: {  	[smem:$0x3FB9] =	sst s10  }
0x38: {  	s10 =	sld [smem:$0x3FBA]  }
0x39: {  	_ = 	snop;
	(pc) =	sbr.ind lr, $3  }
0x3a: {  	_ = 	snop  }
0x3b: {  	_ = 	snop  }
0x3c: {  	p2 =	seq.s32 s10, $0x1;
	s10 =	sld [smem:$0x3FB9]  }
0x3d: {  	_ =	shalt  }
0x3e: {  	_ =	shalt  }
0x3f: {  	_ =	shalt  }
0x40: {  	_ =	shalt  }
0x41: {  	_ =	shalt  }
0x42: {  	_ =	shalt  }
0x43: {  	_ =	shalt  }
0x44: {  	_ =	shalt  }
0x45: {  	_ =	shalt  }
0x46: {  	_ =	shalt  }
0x47: {  	_ =	shalt  }
0x48: {  	_ =	shalt  }
0x49: {  	_ =	shalt  }
0x4a: {  	_ =	shalt  }
0x4b: {  	_ =	shalt  }
0x4c: {  	_ =	shalt  }
0x4d: {  	_ =	shalt  }
0x4e: {  	_ =	shalt  }
0x4f: {  	_ =	shalt  }
0x50: {  	_ =	shalt  }
0x51: {  	_ =	shalt  }
0x52: {  	_ =	shalt  }
0x53: {  	_ =	shalt  }
0x54: {  	_ =	shalt  }
0x55: {  	_ =	shalt  }
0x56: {  	_ =	shalt  }
0x57: {  	_ =	shalt  }
0x58: {  	_ =	shalt  }
0x59: {  	_ =	shalt  }
0x5a: {  	_ =	shalt  }
0x5b: {  	_ =	shalt  }
0x5c: {  	_ =	shalt  }
0x5d: {  	_ =	shalt  }
0x5e: {  	_ =	shalt  }
0x5f: {  	_ =	shalt  }
0x60: {  	_ =	shalt  }
0x61: {  	_ =	shalt  }
0x62: {  	_ =	shalt  }
0x63: {  	_ =	shalt  }
0x64: {  	_ =	shalt  }
0x65: {  	_ =	shalt  }
0x66: {  	_ =	shalt  }
0x67: {  	_ =	shalt  }
0x68: {  	_ =	shalt  }
0x69: {  	_ =	shalt  }
0x6a: {  	_ =	shalt  }
0x6b: {  	_ =	shalt  }
0x6c: {  	_ =	shalt  }
0x6d: {  	_ =	shalt  }
0x6e: {  	_ =	shalt  }
0x6f: {  	_ =	shalt  }
0x70: {  	_ =	shalt  }
0x71: {  	_ =	shalt  }
0x72: {  	_ =	shalt  }
0x73: {  	_ =	shalt  }
0x74: {  	_ =	shalt  }
0x75: {  	_ =	shalt  }
0x76: {  	_ =	shalt  }
0x77: {  	_ =	shalt  }
0x78: {  	_ =	shalt  }
0x79: {  	_ =	shalt  }
0x7a: {  	_ =	shalt  }
0x7b: {  	_ =	shalt  }
0x7c: {  	_ =	shalt  }
0x7d: {  	_ =	shalt  }
0x7e: {  	_ =	shalt  }
0x7f: {  	_ =	shalt  }
0x80: {  	_ =	shalt  }
0x81: {  	_ =	shalt  }
0x82: {  	_ =	shalt  }
0x83: {  	_ =	shalt  }
0x84: {  	_ =	shalt  }
0x85: {  	_ =	shalt  }
0x86: {  	_ =	shalt  }
0x87: {  	_ =	shalt  }
.Lfunc_end0:
.L_simem_size_0:
called_computation_lowered:
.L_overlay_start_0:
0x88: {  	s2 =	sld [smem:$0x3FD9]  }
0x89: {  	s3 =	sld [smem:$0x3FFE];
	_ =	sdelay $0x1  }
0x8a: {  	s1 =	srdreg.scid  }
0x8b: {  	s0 =	sand.u32 $0x1, s1  }
0x8c: {  	s17 =	sshll.u32 s0, $0xA;
	s2 =	sadd.s32 s3, s2  }
0x8d: {  	s2 =	sadd.s32 s2, s17  }
0x8e: {  	[smem:$0x3FC5] =	sst s2  }
0x8f: {  	_ = 	snop  }
0x90: {  	s2 =	sld [smem:$0x3FC8]  }
0x91: {  	s18 =	sld [smem:$0x3FD0];
	(tm) =	ssettm $0x1  }
0x92: {  	s4 =	sld [smem:$0x3FFB];
	_ =	sdelay $0x3  }
0x93: {  	_ =	strace s4  }
0x94: {  	s4 =	sld [smem:$0x3FFC];
	_ =	sdelay $0x3  }
0x95: {  	_ =	strace s4  }
0x96: {  	s4 =	sld [smem:$0x3FFD];
	_ =	sdelay $0x3  }
0x97: {  	_ =	strace s4  }
0x98: {  	_ =	strace $0x8FFFFFFF  }
0x99: {  	s19 =	sld [smem:$0x3FDB];
	_ =	sdelay $0x1  }
0x9a: {  	s5 =	simm.s32 $_scs_section_size  }
0x9b: {  	s6 =	simm.s32 $_size__tile_overlayer_lowered;
	s7 =	simm.s32 $_tile_overlayer_lowered  }
0x9c: {  	s22 =	simm.s32 $0x1BFF;
	s21 =	sshll.u32 s7, $0x1;
	s4 =	sadd.s32 s5, s19  }
0x9d: {  	s8 =	simm.s32 $0x0;
	s20 =	sshll.u32 s6, $0x1;
	s6 =	sadd.s32 s21, s4  }
0x9e: {  	[timem:s8], [sflag:s22] =	dma.local [hbm:s6], s20  }
0x9f: {  	_ =	swait.ge [sflag:s22], s20  }
0xa0: {  	s5 =	ssub.s32 $0x0, s20;
	[sflag:s22] =	ssyncset.done $0x0  }
0xa1: {  	[sflag:s22] =	ssyncadd.s32 s5;
	_ =	sdelay $0x1  }
0xa2: {  	s23 =	simm.s32 $0x1B8B  }
0xa3: {  	_ =	swait.ge [sflag:s23], $0x1  }
0xa4: {  	[sflag:s23] =	ssyncset.done $0x0  }
0xa5: {  	s25 =	simm.s32 $0x1B8E;
	s24 =	sld [smem:$0x3FFE];
	[sflag:s23] =	ssyncadd.s32 $0xFFFFFFFF  }
0xa6: {  	s26 =	simm.s32 $execute0_lowered;
	[smem:$0x3FD2] =	sst s25  }
0xa7: {  	s6 =	sshll.u32 s26, $0x1;
	_ =	strace $0x80000046;
	[dreg:$0x1] =	wrdreg $0xFFFFFFFF  }
0xa8: {  	s28 =	simm.s32 $_size_execute0_lowered;
	s4 =	sadd.s32 s4, s6;
	[dreg:$0x0] =	wrdreg $0x0  }
0xa9: {  	s6 =	sshll.u32 s28, $0x1;
	[dreg:$0x2] =	wrdreg s4  }
0xaa: {  	[dreg:$0x3] =	wrdreg s6  }
0xab: {  	[dreg:$0x4] =	wrdreg $0xC0  }
0xac: {  	_ =	task [dreg:s8], $0x5FFFF  }
0xad: {  	[dreg:$0x1] =	wrdreg $0xFFFFFFFF  }
0xae: {  	[dreg:$0x0] =	wrdreg $0x60  }
0xaf: {  	[dreg:$0x2] =	wrdreg s24  }
0xb0: {  	[dreg:$0x3] =	wrdreg s2  }
0xb1: {  	[dreg:$0x4] =	wrdreg s18  }
0xb2: {  	[dreg:$0x5] =	wrdreg $0x9  }
0xb3: {  	_ =	task.clear_ibuf [dreg:s8], $0x6FFFF;
	_ =	strace $0x90000046  }
0xb4: {  	s29 =	simm.s32 $0x9;
	_ =	strace $0x80000048  }
0xb5: {  	_ =	swait.ge [sflag:s29], $0x1  }
0xb6: {  	[sflag:s29] =	ssyncadd.s32 $0xFFFFFFFF  }
0xb7: {  	_ =	strace $0x90000048  }
0xb8: {  	_ =	sfence  }
0xb9: {  	s30 =	sld [smem:$0x0];
	_ =	sdelay $0x2  }
0xba: {  	s31 =	sshll.u32 s1, $0xD;
	s1 =	sshrl.u32 s1, $0x2  }
0xbb: {  	s3 =	sand.u32 $0x4000, s31;
	s1 =	sadd.s32 s1, s30  }
0xbc: {  	s0 =	sor.u32 s3, s0;
	s1 =	sshll.u32 s1, $0x11  }
0xbd: {  	s0 =	sor.u32 s1, s0  }
0xbe: {  	s0 =	sadd.s32 $0x8F2B, s0  }
0xbf: {  	[sflag:s0] =	ssyncadd.remote.s32 $0x1  }
0xc0: {  	_ =	sfence.sel $0xFFFF  }
0xc1: {  	[dreg:$0x0] =	wrdreg $0xFFFFFFFF;
	(pc) =	sbr.abs _section_cstart, $3  }
0xc2: {  	[dreg:$0x1] =	wrdreg $0xFFFFFFFF  }
0xc3: {  	_ =	task.clear_ibuf [dreg:s8], $0x2FFFF;
	_ =	strace $0x9FFFFFFF  }
0xc4: {  	(tm) =	ssettm $0x7FFFFFFF  }
0xc5: {  	_ =	shalt  }
tec
execute0_lowered:
.L_overlay_start_1:
0x0: {  	(tag) =	ssettag $0x1  }
0x1: {  	s0 =	rddreg [dreg:$0x0]  }
0x2: {  	s3 =	rddreg [dreg:$0x1]  }
0x3: {  	s1 =	rddreg [dreg:$0x2];
	s2 =	simm.s32 $0x0  }
0x4: {  	s5 =	srdreg.scid;
	s7 =	stileid.u32;
	s30 =	simm.s32 $0x1  }
0x5: {  	s29 =	simm.s32 $0x4;
	s28 =	simm.s32 $0x19980;
	s31 =	simm.s32 $0x19E80  }
0x6: {  	[smem:$0x7FF] =	sst s2;
	s4 =	sadd.s32 $0x400, s0;
	s10 =	sadd.s32 $0x1400, s0  }
0x7: {  	s13 =	sadd.s32 $0x410, s0;
	_ =	strace $0x80000047;
	[dreg:$0x4] =	wrdreg s10  }
0x8: {  	s5 =	sand.u32 $0x1, s5;
	s14 =	sadd.s32 $0x420, s0;
	[dreg:$0x9] =	wrdreg s13  }
0x9: {  	s6 =	sshll.u32 s7, $0x9;
	s15 =	sadd.s32 $0x430, s0;
	[dreg:$0xa] =	wrdreg s14  }
0xa: {  	s7 =	sshrl.u32 s7, $0x1;
	s16 =	sadd.s32 $0x440, s0;
	[dreg:$0xb] =	wrdreg s15  }
0xb: {  	s17 =	sadd.s32 $0x450, s0;
	s18 =	sadd.s32 $0x460, s0;
	[dreg:$0xc] =	wrdreg s16  }
0xc: {  	s19 =	sadd.s32 $0x470, s0;
	s20 =	sadd.s32 $0x480, s0;
	[dreg:$0xd] =	wrdreg s17  }
0xd: {  	s21 =	sadd.s32 $0x490, s0;
	s22 =	sadd.s32 $0x4A0, s0;
	[dreg:$0xe] =	wrdreg s18  }
0xe: {  	s8 =	sshll.u32 s5, $0x8;
	s6 =	sand.u32 $0x200, s6;
	[dreg:$0xf] =	wrdreg s19  }
0xf: {  	s9 =	smul.u32 $0xC3800, s7;
	s5 =	ssub.s32 $0x2, s5;
	[dreg:$0x10] =	wrdreg s20  }
0x10: {  	s7 =	sshll.u32 s7, $0x10;
	s10 =	sadd.s32 $0x600, s0;
	[dreg:$0x11] =	wrdreg s21  }
0x11: {  	[dreg:$0x12] =	wrdreg s22;
	s13 =	simm.s32 $0x1A280;
	s14 =	simm.s32 $0x1A380  }
0x12: {  	s15 =	simm.s32 $0x1A480;
	s16 =	simm.s32 $0x1A580;
	s18 =	simm.s32 $0x0  }
0x13: {  	s6 =	sor.u32 s8, s6;
	s23 =	sshrl.u32 s5, $0x1;
	[dreg:$0x6] =	wrdreg s10  }
0x14: {  	s10 =	simm.s32 $0x19F80;
	s24 =	sor.u32 s9, s6;
	s11 =	sor.u32 $0x80, s6  }
0x15: {  	s5 =	ssub.s32 s5, s23;
	s23 =	sadd.s32 $0x4B0, s0;
	s22 =	sor.u32 s7, s6  }
0x16: {  	s6 =	simm.s32 $0x19B80;
	s25 =	sshrl.u32 s24, $0x3;
	s9 =	sor.u32 s9, s11  }
0x17: {  	s12 =	smax.u32 s5, $0x1;
	[dreg:$0x13] =	wrdreg s23;
	s24 =	sadd.s32 $0x4C0, s0  }
0x18: {  	s23 =	sor.u32 s7, s11;
	s5 =	simm.s32 $0x19A80;
	[dreg:$0x8] =	wrdreg s12  }
0x19: {  	s11 =	simm.s32 $0x1A080;
	s8 =	sadd.s32 s3, s25;
	[dreg:$0x14] =	wrdreg s24  }
0x1a: {  	s26 =	sshrl.u32 s9, $0x3;
	s25 =	sadd.s32 $0x4D0, s0;
	[dreg:$0x5] =	wrdreg s8  }
0x1b: {  	s7 =	simm.s32 $0x1A680;
	s3 =	sadd.s32 s3, s26;
	[dreg:$0x15] =	wrdreg s25  }
0x1c: {  	s9 =	simm.s32 $0x19D80;
	s26 =	sadd.s32 $0x4E0, s0;
	[dreg:$0x7] =	wrdreg s3  }
0x1d: {  	s12 =	simm.s32 $0x1A180;
	s0 =	sadd.s32 $0x4F0, s0;
	[dreg:$0x16] =	wrdreg s26  }
0x1e: {  	s25 =	simm.s32 $0x1A600;
	s8 =	simm.s32 $0x19C80;
	[dreg:$0x17] =	wrdreg s0  }
0x1f: {  	s26 =	simm.s32 $0x2;
	s0 =	simm.s32 $0x19780;
	s3 =	simm.s32 $0x19880  }
.LBB2_1:
0x20: {  	[dreg:$0x18] =	wrdreg s18  }
0x21: {  	s17 =	rddreg [dreg:$0x4];
	s20 =	simm.s32 $0x1A700;
	s21 =	simm.s32 $0x5  }
0x22: {  	[tilespmem:s20], [sflag:$0x5] =	stream.linear.gather [hbm4b:s17+s2], $0x80, $0x38;
	[tilespmem:$0x1A780] =	vst v63  }
0x23: {  	_ =	swait.ge [sflag:s21], $0x80  }
0x24: {  	s19 =	simm.s32 $0x80;
	[sflag:s21] =	ssyncset.done $0x0  }
0x25: {  	s20 =	simm.s32 $0x400;
	s24 =	rddreg [dreg:$0x5];
	[sflag:s21] =	ssyncadd.s32 $0xFFFFFF80  }
0x26: {  	v0 =	vld [tilespmem:$0x1A700];
	[tilespmem:s2], [sflag:$0x5] =	stream.strided.gather [hbm4b:s24+s19], $0x18700, s20, s19, $0x38  }
0x27: {  	_ =	swait.ge [sflag:s21], $0x18700  }
0x28: {  	[sflag:s21] =	ssyncset.done $0x0  }
0x29: {  	s20 =	simm.s32 $0x18700;
	[sflag:s21] =	ssyncadd.s32 $0xFFFE7900  }
0x2a: {  	[tilespmem:s20], [sflag:$0x1] =	stream.linear.gather [hbm4b:s4+s2], $0x80, $0x38;
	[tilespmem:$0x1A780] =	vst v63  }
0x2b: {  	s24 =	simm.s32 $0x18800;
	s21 =	rddreg [dreg:$0x9]  }
0x2c: {  	[tilespmem:s24], [sflag:$0x1] =	stream.linear.gather [hbm4b:s21+s2], $0x80, $0x38;
	[tilespmem:$0x1A780] =	vst v63  }
0x2d: {  	s19 =	rddreg [dreg:$0xa];
	s20 =	simm.s32 $0x18900  }
0x2e: {  	[tilespmem:s20], [sflag:$0x1] =	stream.linear.gather [hbm4b:s19+s2], $0x80, $0x38;
	[tilespmem:$0x1A780] =	vst v63  }
0x2f: {  	s21 =	rddreg [dreg:$0xb];
	s24 =	simm.s32 $0x18A00  }
0x30: {  	[tilespmem:s24], [sflag:$0x1] =	stream.linear.gather [hbm4b:s21+s2], $0x80, $0x38;
	[tilespmem:$0x1A780] =	vst v63  }
0x31: {  	s19 =	rddreg [dreg:$0xc];
	s20 =	simm.s32 $0x18B00  }
0x32: {  	[tilespmem:s20], [sflag:$0x1] =	stream.linear.gather [hbm4b:s19+s2], $0x80, $0x38;
	[tilespmem:$0x1A780] =	vst v63  }
0x33: {  	s21 =	rddreg [dreg:$0xd];
	s24 =	simm.s32 $0x18C00  }
0x34: {  	[tilespmem:s24], [sflag:$0x1] =	stream.linear.gather [hbm4b:s21+s2], $0x80, $0x38;
	[tilespmem:$0x1A780] =	vst v63  }
0x35: {  	s19 =	rddreg [dreg:$0xe];
	s20 =	simm.s32 $0x18D00  }
0x36: {  	[tilespmem:s20], [sflag:$0x1] =	stream.linear.gather [hbm4b:s19+s2], $0x80, $0x38;
	[tilespmem:$0x1A780] =	vst v63  }
0x37: {  	s21 =	rddreg [dreg:$0xf];
	s24 =	simm.s32 $0x18E00  }
0x38: {  	[tilespmem:s24], [sflag:$0x1] =	stream.linear.gather [hbm4b:s21+s2], $0x80, $0x38;
	[tilespmem:$0x1A780] =	vst v63  }
0x39: {  	s19 =	rddreg [dreg:$0x10];
	s20 =	simm.s32 $0x18F00  }
0x3a: {  	[tilespmem:s20], [sflag:$0x1] =	stream.linear.gather [hbm4b:s19+s2], $0x80, $0x38;
	[tilespmem:$0x1A780] =	vst v63  }
0x3b: {  	s21 =	rddreg [dreg:$0x11];
	s24 =	simm.s32 $0x19000  }
0x3c: {  	[tilespmem:s24], [sflag:$0x1] =	stream.linear.gather [hbm4b:s21+s2], $0x80, $0x38;
	[tilespmem:$0x1A780] =	vst v63  }
0x3d: {  	s19 =	rddreg [dreg:$0x12];
	s20 =	simm.s32 $0x19100  }
0x3e: {  	[tilespmem:s20], [sflag:$0x1] =	stream.linear.gather [hbm4b:s19+s2], $0x80, $0x38;
	[tilespmem:$0x1A780] =	vst v63  }
0x3f: {  	s21 =	rddreg [dreg:$0x13];
	s24 =	simm.s32 $0x19200  }
0x40: {  	[tilespmem:s24], [sflag:$0x1] =	stream.linear.gather [hbm4b:s21+s2], $0x80, $0x38;
	[tilespmem:$0x1A780] =	vst v63  }
0x41: {  	s19 =	rddreg [dreg:$0x14];
	s20 =	simm.s32 $0x19300  }
0x42: {  	[tilespmem:s20], [sflag:$0x1] =	stream.linear.gather [hbm4b:s19+s2], $0x80, $0x38;
	[tilespmem:$0x1A780] =	vst v63  }
0x43: {  	s21 =	rddreg [dreg:$0x15];
	s24 =	simm.s32 $0x19400  }
0x44: {  	[tilespmem:s24], [sflag:$0x1] =	stream.linear.gather [hbm4b:s21+s2], $0x80, $0x38;
	[tilespmem:$0x1A780] =	vst v63  }
0x45: {  	s19 =	rddreg [dreg:$0x16];
	s20 =	simm.s32 $0x19500  }
0x46: {  	[tilespmem:s20], [sflag:$0x1] =	stream.linear.gather [hbm4b:s19+s2], $0x80, $0x38;
	[tilespmem:$0x1A780] =	vst v63  }
0x47: {  	s17 =	simm.s32 $0x0;
	s21 =	rddreg [dreg:$0x17];
	s24 =	simm.s32 $0x19600  }
0x48: {  	[tilespmem:s24], [sflag:$0x1] =	stream.linear.gather [hbm4b:s21+s2], $0x80, $0x38;
	[tilespmem:$0x1A780] =	vst v63  }
.LBB2_2:
0x49: {  	s18 =	sshllo.u32 s17, $0x1  }
0x4a: {  	s19 =	sshll.u32 s18, $0x8  }
0x4b: {  	s20 =	simm.s32 $0x18780;
	s19 =	sadd.s32 s4, s19  }
0x4c: {  	[tilespmem:s20], [sflag:$0x2] =	stream.linear.gather [hbm4b:s19+s2], $0x80, $0x38;
	[tilespmem:$0x1A780] =	vst v63  }
0x4d: {  	s21 =	simm.s32 $0x18880;
	s24 =	sadd.s32 $0x10, s19  }
0x4e: {  	[tilespmem:s21], [sflag:$0x2] =	stream.linear.gather [hbm4b:s24+s2], $0x80, $0x38;
	[tilespmem:$0x1A780] =	vst v63  }
0x4f: {  	s21 =	sadd.s32 $0x20, s19;
	s24 =	simm.s32 $0x18980  }
0x50: {  	[tilespmem:s24], [sflag:$0x2] =	stream.linear.gather [hbm4b:s21+s2], $0x80, $0x38;
	[tilespmem:$0x1A780] =	vst v63  }
0x51: {  	s21 =	sadd.s32 $0x30, s19;
	s24 =	simm.s32 $0x18A80  }
0x52: {  	[tilespmem:s24], [sflag:$0x2] =	stream.linear.gather [hbm4b:s21+s2], $0x80, $0x38;
	[tilespmem:$0x1A780] =	vst v63  }
0x53: {  	s21 =	sadd.s32 $0x40, s19;
	s24 =	simm.s32 $0x18B80  }
0x54: {  	[tilespmem:s24], [sflag:$0x2] =	stream.linear.gather [hbm4b:s21+s2], $0x80, $0x38;
	[tilespmem:$0x1A780] =	vst v63  }
0x55: {  	s21 =	sadd.s32 $0x50, s19;
	s24 =	simm.s32 $0x18C80  }
0x56: {  	[tilespmem:s24], [sflag:$0x2] =	stream.linear.gather [hbm4b:s21+s2], $0x80, $0x38;
	[tilespmem:$0x1A780] =	vst v63  }
0x57: {  	s21 =	sadd.s32 $0x60, s19;
	s24 =	simm.s32 $0x18D80  }
0x58: {  	[tilespmem:s24], [sflag:$0x2] =	stream.linear.gather [hbm4b:s21+s2], $0x80, $0x38;
	[tilespmem:$0x1A780] =	vst v63  }
0x59: {  	s21 =	sadd.s32 $0x70, s19;
	s24 =	simm.s32 $0x18E80  }
0x5a: {  	[tilespmem:s24], [sflag:$0x2] =	stream.linear.gather [hbm4b:s21+s2], $0x80, $0x38;
	[tilespmem:$0x1A780] =	vst v63  }
0x5b: {  	s21 =	sadd.s32 $0x80, s19;
	s24 =	simm.s32 $0x18F80  }
0x5c: {  	[tilespmem:s24], [sflag:$0x2] =	stream.linear.gather [hbm4b:s21+s2], $0x80, $0x38;
	[tilespmem:$0x1A780] =	vst v63  }
0x5d: {  	s21 =	sadd.s32 $0x90, s19;
	s24 =	simm.s32 $0x19080  }
0x5e: {  	[tilespmem:s24], [sflag:$0x2] =	stream.linear.gather [hbm4b:s21+s2], $0x80, $0x38;
	[tilespmem:$0x1A780] =	vst v63  }
0x5f: {  	s21 =	sadd.s32 $0xA0, s19;
	s24 =	simm.s32 $0x19180  }
0x60: {  	[tilespmem:s24], [sflag:$0x2] =	stream.linear.gather [hbm4b:s21+s2], $0x80, $0x38;
	[tilespmem:$0x1A780] =	vst v63  }
0x61: {  	s21 =	sadd.s32 $0xB0, s19;
	s24 =	simm.s32 $0x19280  }
0x62: {  	[tilespmem:s24], [sflag:$0x2] =	stream.linear.gather [hbm4b:s21+s2], $0x80, $0x38;
	[tilespmem:$0x1A780] =	vst v63  }
0x63: {  	s21 =	sadd.s32 $0xC0, s19;
	s24 =	simm.s32 $0x19380  }
0x64: {  	[tilespmem:s24], [sflag:$0x2] =	stream.linear.gather [hbm4b:s21+s2], $0x80, $0x38;
	[tilespmem:$0x1A780] =	vst v63  }
0x65: {  	s21 =	sadd.s32 $0xD0, s19;
	s24 =	simm.s32 $0x19480  }
0x66: {  	[tilespmem:s24], [sflag:$0x2] =	stream.linear.gather [hbm4b:s21+s2], $0x80, $0x38;
	[tilespmem:$0x1A780] =	vst v63  }
0x67: {  	s21 =	sadd.s32 $0xE0, s19;
	s24 =	simm.s32 $0x19580  }
0x68: {  	[tilespmem:s24], [sflag:$0x2] =	stream.linear.gather [hbm4b:s21+s2], $0x80, $0x38;
	[tilespmem:$0x1A780] =	vst v63  }
0x69: {  	s19 =	sadd.s32 $0xF0, s19;
	s21 =	simm.s32 $0x19680  }
0x6a: {  	[tilespmem:s21], [sflag:$0x2] =	stream.linear.gather [hbm4b:s19+s2], $0x80, $0x38;
	[tilespmem:$0x1A780] =	vst v63  }
0x6b: {  	_ =	swait.ge [sflag:s30], $0x800  }
0x6c: {  	p0 =	seq.s32 s17, $0x0;
	[sflag:s30] =	ssyncset.done $0x0  }
0x6d: {  	s19 =	simm.s32 @!p0 $0x3;
	[sflag:s30] =	ssyncadd.s32 $0xFFFFF800  }
0x6e: {  	_ =	swait.ge @!p0 [sflag:s19], $0x800  }
0x6f: {  	[sflag:s19] =	ssyncset.done @!p0 $0x0  }
0x70: {  	s24 =	simm.s32 $0x18740;
	[sflag:s19] =	ssyncadd.s32 @!p0 $0xFFFFF800  }
0x71: {  	v1 =	vld [tilespmem:s24+$0x30]  }
0x72: {  	v2 =	vld [tilespmem:s24+$0xFFFFFFD0]  }
0x73: {  	v3 =	vld [tilespmem:s24+$0xFFFFFFE0]  }
0x74: {  	v4 =	vld [tilespmem:s24+$0xFFFFFFF0]  }
0x75: {  	v7 =	vld [tilespmem:s24+$0x0]  }
0x76: {  	v8 =	vld [tilespmem:s24+$0x10]  }
0x77: {  	v9 =	vld [tilespmem:s24+$0x20]  }
0x78: {  	v10 =	vld [tilespmem:s24+$0xFFFFFFC0]  }
0x79: {  	v11 =	vld.idx.msk [tilespmem:v1+s2+$0x0], $0xffff  }
0x7a: {  	v12 =	vld.idx.msk [tilespmem:v2+s2+$0x0], $0xffff  }
0x7b: {  	v6 =	vld.idx.msk [tilespmem:v3+s2+$0x0], $0xffff  }
0x7c: {  	v5 =	vld.idx.msk [tilespmem:v4+s2+$0x0], $0xffff  }
0x7d: {  	v4 =	vld.idx.msk [tilespmem:v7+s2+$0x0], $0xffff  }
0x7e: {  	v3 =	vld.idx.msk [tilespmem:v8+s2+$0x0], $0xffff  }
0x7f: {  	v1 =	vld.idx.msk [tilespmem:v9+s2+$0x0], $0xffff;
	v7 =	vmul.f32 v11, v0  }
0x80: {  	s20 =	simm.s32 $0x19740;
	s21 =	simm.s32 $0x18840;
	s19 =	simm.s32 $0x0;
	v2 =	vld.idx.msk [tilespmem:v10+s2+$0x0], $0xffff;
	v8 =	vmul.f32 v12, v0  }
.LBB2_3:
0x81: {  	v9 =	vld [tilespmem:s21+$0x30];
	s19 =	sadd.s32 $0x80, s19;
	v6 =	vmul.f32 v6, v0;
	[tilespmem:s20+$0x30] =	vst v7  }
0x82: {  	v5 =	vmul.f32 v5, v0;
	v7 =	vld [tilespmem:s21+$0xFFFFFFD0];
	p1 =	slt.u32 s19, $0x780;
	[tilespmem:s20+$0xFFFFFFD0] =	vst v8  }
0x83: {  	v4 =	vmul.f32 v4, v0;
	v8 =	vld [tilespmem:s21+$0xFFFFFFE0];
	[tilespmem:s20+$0xFFFFFFE0] =	vst v6  }
0x84: {  	v3 =	vmul.f32 v3, v0;
	v10 =	vld [tilespmem:s21+$0xFFFFFFF0];
	[tilespmem:s20+$0xFFFFFFF0] =	vst v5  }
0x85: {  	v1 =	vmul.f32 v1, v0;
	v11 =	vld [tilespmem:s21+$0x0];
	[tilespmem:s20+$0x0] =	vst v4  }
0x86: {  	v2 =	vmul.f32 v2, v0;
	v12 =	vld [tilespmem:s21+$0x10];
	[tilespmem:s20+$0x10] =	vst v3  }
0x87: {  	v13 =	vld [tilespmem:s21+$0x20];
	[tilespmem:s20+$0x20] =	vst v1  }
0x88: {  	v14 =	vld [tilespmem:s21+$0xFFFFFFC0];
	[tilespmem:s20+$0xFFFFFFC0] =	vst v2  }
0x89: {  	v2 =	vld.idx.msk [tilespmem:v9+s2+$0x0], $0xffff  }
0x8a: {  	v9 =	vld.idx.msk [tilespmem:v7+s2+$0x0], $0xffff  }
0x8b: {  	v6 =	vld.idx.msk [tilespmem:v8+s2+$0x0], $0xffff  }
.Ltmp0:
0x8c: {  	v5 =	vld.idx.msk [tilespmem:v10+s2+$0x0], $0xffff;
	(pc) =	sbr.rel @p1 .LBB2_3-.Ltmp0, $4  }
0x8d: {  	v4 =	vld.idx.msk [tilespmem:v11+s2+$0x0], $0xffff  }
0x8e: {  	v3 =	vld.idx.msk [tilespmem:v12+s2+$0x0], $0xffff  }
0x8f: {  	v7 =	vmul.f32 v2, v0;
	v1 =	vld.idx.msk [tilespmem:v13+s2+$0x0], $0xffff  }
0x90: {  	s21 =	sadd.s32 $0x100, s21;
	s20 =	sadd.s32 $0x100, s20;
	v8 =	vmul.f32 v9, v0;
	v2 =	vld.idx.msk [tilespmem:v14+s2+$0x0], $0xffff  }
0x91: {  	v6 =	vmul.f32 v6, v0;
	[tilespmem:s20+$0x30] =	vst v7  }
0x92: {  	v5 =	vmul.f32 v5, v0;
	[tilespmem:s20+$0xFFFFFFD0] =	vst v8  }
0x93: {  	s19 =	sshll.u32 s17, $0xF;
	v4 =	vmul.f32 v4, v0;
	[tilespmem:s20+$0xFFFFFFE0] =	vst v6  }
0x94: {  	s21 =	sshll.u32 s17, $0x12;
	s24 =	sand.u32 $0x8000, s19;
	[tilespmem:s20+$0xFFFFFFF0] =	vst v5;
	v3 =	vmul.f32 v3, v0  }
0x95: {  	s19 =	sand.u32 $0x180000, s21;
	s24 =	sor.u32 s22, s24;
	[tilespmem:s20+$0x0] =	vst v4;
	v1 =	vmul.f32 v1, v0  }
0x96: {  	s21 =	sor.u32 s19, s24;
	v2 =	vmul.f32 v2, v0;
	[tilespmem:s20+$0x10] =	vst v3  }
0x97: {  	s21 =	sshrl.u32 s21, $0x3;
	[tilespmem:s20+$0x20] =	vst v1  }
0x98: {  	s24 =	simm.s32 $0x19700;
	[tilespmem:s20+$0xFFFFFFC0] =	vst v2;
	s20 =	sadd.s32 s1, s21  }
0x99: {  	[hbm4b:s20+s2] =	stream.linear.scatter [tilespmem:s24], [sflag:$0x3], $0x80, $0x38;
	[tilespmem:$0x1A780] =	vst v63  }
0x9a: {  	s21 =	sadd.s32 $0x80, s20;
	s24 =	simm.s32 $0x19800  }
0x9b: {  	[hbm4b:s21+s2] =	stream.linear.scatter [tilespmem:s24], [sflag:$0x3], $0x80, $0x38;
	[tilespmem:$0x1A780] =	vst v63  }
0x9c: {  	s21 =	sadd.s32 $0x100, s20;
	s24 =	simm.s32 $0x19900  }
0x9d: {  	[hbm4b:s21+s2] =	stream.linear.scatter [tilespmem:s24], [sflag:$0x3], $0x80, $0x38;
	[tilespmem:$0x1A780] =	vst v63  }
0x9e: {  	s21 =	sadd.s32 $0x180, s20;
	s24 =	simm.s32 $0x19A00  }
0x9f: {  	[hbm4b:s21+s2] =	stream.linear.scatter [tilespmem:s24], [sflag:$0x3], $0x80, $0x38;
	[tilespmem:$0x1A780] =	vst v63  }
0xa0: {  	s21 =	sadd.s32 $0x200, s20;
	s24 =	simm.s32 $0x19B00  }
0xa1: {  	[hbm4b:s21+s2] =	stream.linear.scatter [tilespmem:s24], [sflag:$0x3], $0x80, $0x38;
	[tilespmem:$0x1A780] =	vst v63  }
0xa2: {  	s21 =	sadd.s32 $0x280, s20;
	s24 =	simm.s32 $0x19C00  }
0xa3: {  	[hbm4b:s21+s2] =	stream.linear.scatter [tilespmem:s24], [sflag:$0x3], $0x80, $0x38;
	[tilespmem:$0x1A780] =	vst v63  }
0xa4: {  	s21 =	sadd.s32 $0x300, s20;
	s24 =	simm.s32 $0x19D00  }
0xa5: {  	[hbm4b:s21+s2] =	stream.linear.scatter [tilespmem:s24], [sflag:$0x3], $0x80, $0x38;
	[tilespmem:$0x1A780] =	vst v63  }
0xa6: {  	s21 =	sadd.s32 $0x380, s20;
	s24 =	simm.s32 $0x19E00  }
0xa7: {  	[hbm4b:s21+s2] =	stream.linear.scatter [tilespmem:s24], [sflag:$0x3], $0x80, $0x38;
	[tilespmem:$0x1A780] =	vst v63  }
0xa8: {  	s21 =	sadd.s32 $0x400, s20;
	s24 =	simm.s32 $0x19F00  }
0xa9: {  	[hbm4b:s21+s2] =	stream.linear.scatter [tilespmem:s24], [sflag:$0x3], $0x80, $0x38;
	[tilespmem:$0x1A780] =	vst v63  }
0xaa: {  	s21 =	sadd.s32 $0x480, s20;
	s24 =	simm.s32 $0x1A000  }
0xab: {  	[hbm4b:s21+s2] =	stream.linear.scatter [tilespmem:s24], [sflag:$0x3], $0x80, $0x38;
	[tilespmem:$0x1A780] =	vst v63  }
0xac: {  	s21 =	sadd.s32 $0x500, s20;
	s24 =	simm.s32 $0x1A100  }
0xad: {  	[hbm4b:s21+s2] =	stream.linear.scatter [tilespmem:s24], [sflag:$0x3], $0x80, $0x38;
	[tilespmem:$0x1A780] =	vst v63  }
0xae: {  	s21 =	sadd.s32 $0x580, s20;
	s24 =	simm.s32 $0x1A200  }
0xaf: {  	[hbm4b:s21+s2] =	stream.linear.scatter [tilespmem:s24], [sflag:$0x3], $0x80, $0x38;
	[tilespmem:$0x1A780] =	vst v63  }
0xb0: {  	s21 =	sadd.s32 $0x600, s20;
	s24 =	simm.s32 $0x1A300  }
0xb1: {  	[hbm4b:s21+s2] =	stream.linear.scatter [tilespmem:s24], [sflag:$0x3], $0x80, $0x38;
	[tilespmem:$0x1A780] =	vst v63  }
0xb2: {  	p1 =	sne.s32 s17, $0x7;
	s21 =	sadd.s32 $0x680, s20;
	s24 =	simm.s32 $0x1A400  }
0xb3: {  	[hbm4b:s21+s2] =	stream.linear.scatter [tilespmem:s24], [sflag:$0x3], $0x80, $0x38;
	[tilespmem:$0x1A780] =	vst v63  }
.Ltmp1:
0xb4: {  	_ = 	snop;
	(pc) =	sbr.rel @p1 .LBB2_6-.Ltmp1, $4  }
0xb5: {  	s21 =	sadd.s32 $0x700, s20;
	s24 =	simm.s32 $0x1A500  }
0xb6: {  	[hbm4b:s21+s2] =	stream.linear.scatter [tilespmem:s24], [sflag:$0x3], $0x80, $0x38;
	[tilespmem:$0x1A780] =	vst v63  }
0xb7: {  	s20 =	sadd.s32 $0x780, s20  }
0xb8: {  	[hbm4b:s20+s2] =	stream.linear.scatter [tilespmem:s25], [sflag:$0x3], $0x80, $0x38;
	[tilespmem:$0x1A780] =	vst v63  }
.Ltmp2:
0xb9: {  	(pc) =	sbr.rel .LBB2_7-.Ltmp2, $4  }
0xba: {  	_ = 	snop  }
0xbb: {  	_ =	swait.ge [sflag:s26], $0x800  }
0xbc: {  	[sflag:s26] =	ssyncset.done $0x0  }
0xbd: {  	[sflag:s26] =	ssyncadd.s32 $0xFFFFF800  }
.LBB2_6:
0xbe: {  	s20 =	sshll.u32 s17, $0x9;
	s21 =	rddreg [dreg:$0x6]  }
0xbf: {  	s24 =	simm.s32 $0x18700;
	s20 =	sadd.s32 s20, s21  }
0xc0: {  	[tilespmem:s24], [sflag:$0x1] =	stream.linear.gather [hbm4b:s20+s2], $0x80, $0x38;
	[tilespmem:$0x1A780] =	vst v63  }
0xc1: {  	s21 =	sadd.s32 $0x10, s20;
	s24 =	simm.s32 $0x18800  }
0xc2: {  	[tilespmem:s24], [sflag:$0x1] =	stream.linear.gather [hbm4b:s21+s2], $0x80, $0x38;
	[tilespmem:$0x1A780] =	vst v63  }
0xc3: {  	s21 =	sadd.s32 $0x20, s20;
	s24 =	simm.s32 $0x18900  }
0xc4: {  	[tilespmem:s24], [sflag:$0x1] =	stream.linear.gather [hbm4b:s21+s2], $0x80, $0x38;
	[tilespmem:$0x1A780] =	vst v63  }
0xc5: {  	s21 =	sadd.s32 $0x30, s20;
	s24 =	simm.s32 $0x18A00  }
0xc6: {  	[tilespmem:s24], [sflag:$0x1] =	stream.linear.gather [hbm4b:s21+s2], $0x80, $0x38;
	[tilespmem:$0x1A780] =	vst v63  }
0xc7: {  	s21 =	sadd.s32 $0x40, s20;
	s24 =	simm.s32 $0x18B00  }
0xc8: {  	[tilespmem:s24], [sflag:$0x1] =	stream.linear.gather [hbm4b:s21+s2], $0x80, $0x38;
	[tilespmem:$0x1A780] =	vst v63  }
0xc9: {  	s21 =	sadd.s32 $0x50, s20;
	s24 =	simm.s32 $0x18C00  }
0xca: {  	[tilespmem:s24], [sflag:$0x1] =	stream.linear.gather [hbm4b:s21+s2], $0x80, $0x38;
	[tilespmem:$0x1A780] =	vst v63  }
0xcb: {  	s21 =	sadd.s32 $0x60, s20;
	s24 =	simm.s32 $0x18D00  }
0xcc: {  	[tilespmem:s24], [sflag:$0x1] =	stream.linear.gather [hbm4b:s21+s2], $0x80, $0x38;
	[tilespmem:$0x1A780] =	vst v63  }
0xcd: {  	s21 =	sadd.s32 $0x70, s20;
	s24 =	simm.s32 $0x18E00  }
0xce: {  	[tilespmem:s24], [sflag:$0x1] =	stream.linear.gather [hbm4b:s21+s2], $0x80, $0x38;
	[tilespmem:$0x1A780] =	vst v63  }
0xcf: {  	s21 =	sadd.s32 $0x80, s20;
	s24 =	simm.s32 $0x18F00  }
0xd0: {  	[tilespmem:s24], [sflag:$0x1] =	stream.linear.gather [hbm4b:s21+s2], $0x80, $0x38;
	[tilespmem:$0x1A780] =	vst v63  }
0xd1: {  	s21 =	sadd.s32 $0x90, s20;
	s24 =	simm.s32 $0x19000  }
0xd2: {  	[tilespmem:s24], [sflag:$0x1] =	stream.linear.gather [hbm4b:s21+s2], $0x80, $0x38;
	[tilespmem:$0x1A780] =	vst v63  }
0xd3: {  	s21 =	sadd.s32 $0xA0, s20;
	s24 =	simm.s32 $0x19100  }
0xd4: {  	[tilespmem:s24], [sflag:$0x1] =	stream.linear.gather [hbm4b:s21+s2], $0x80, $0x38;
	[tilespmem:$0x1A780] =	vst v63  }
0xd5: {  	s21 =	sadd.s32 $0xB0, s20;
	s24 =	simm.s32 $0x19200  }
0xd6: {  	[tilespmem:s24], [sflag:$0x1] =	stream.linear.gather [hbm4b:s21+s2], $0x80, $0x38;
	[tilespmem:$0x1A780] =	vst v63  }
0xd7: {  	s21 =	sadd.s32 $0xC0, s20;
	s24 =	simm.s32 $0x19300  }
0xd8: {  	[tilespmem:s24], [sflag:$0x1] =	stream.linear.gather [hbm4b:s21+s2], $0x80, $0x38;
	[tilespmem:$0x1A780] =	vst v63  }
0xd9: {  	s21 =	sadd.s32 $0xD0, s20;
	s24 =	simm.s32 $0x19400  }
0xda: {  	[tilespmem:s24], [sflag:$0x1] =	stream.linear.gather [hbm4b:s21+s2], $0x80, $0x38;
	[tilespmem:$0x1A780] =	vst v63  }
0xdb: {  	s21 =	sadd.s32 $0xE0, s20;
	s24 =	simm.s32 $0x19500  }
0xdc: {  	[tilespmem:s24], [sflag:$0x1] =	stream.linear.gather [hbm4b:s21+s2], $0x80, $0x38;
	[tilespmem:$0x1A780] =	vst v63  }
.Ltmp3:
0xdd: {  	s20 =	sadd.s32 $0xF0, s20;
	s24 =	simm.s32 $0x19600;
	(pc) =	sbr.rel @p0 .LBB2_8-.Ltmp3, $4  }
0xde: {  	[tilespmem:s24], [sflag:$0x1] =	stream.linear.gather [hbm4b:s20+s2], $0x80, $0x38;
	[tilespmem:$0x1A780] =	vst v63  }
0xdf: {  	_ =	swait.ge [sflag:s26], $0x800  }
0xe0: {  	[sflag:s26] =	ssyncset.done $0x0  }
0xe1: {  	[sflag:s26] =	ssyncadd.s32 $0xFFFFF800  }
.LBB2_7:
0xe2: {  	_ =	swait.ge [sflag:s29], $0x800  }
0xe3: {  	[sflag:s29] =	ssyncset.done $0x0  }
0xe4: {  	[sflag:s29] =	ssyncadd.s32 $0xFFFFF800  }
.LBB2_8:
0xe5: {  	s20 =	simm.s32 $0x187F0  }
0xe6: {  	v1 =	vld [tilespmem:s20+$0x0]  }
0xe7: {  	v2 =	vld [tilespmem:s20+$0xFFFFFFA0]  }
0xe8: {  	v3 =	vld [tilespmem:s20+$0xFFFFFFB0]  }
0xe9: {  	v4 =	vld [tilespmem:s20+$0xFFFFFFC0]  }
0xea: {  	v7 =	vld [tilespmem:s20+$0xFFFFFFD0]  }
0xeb: {  	v8 =	vld [tilespmem:s20+$0xFFFFFFE0]  }
0xec: {  	v9 =	vld [tilespmem:s20+$0xFFFFFFF0]  }
0xed: {  	v10 =	vld [tilespmem:s20+$0xFFFFFF90]  }
0xee: {  	v11 =	vld.idx.msk [tilespmem:v1+s2+$0x0], $0xffff  }
0xef: {  	v12 =	vld.idx.msk [tilespmem:v2+s2+$0x0], $0xffff  }
0xf0: {  	v6 =	vld.idx.msk [tilespmem:v3+s2+$0x0], $0xffff  }
0xf1: {  	v5 =	vld.idx.msk [tilespmem:v4+s2+$0x0], $0xffff  }
0xf2: {  	v4 =	vld.idx.msk [tilespmem:v7+s2+$0x0], $0xffff  }
0xf3: {  	v3 =	vld.idx.msk [tilespmem:v8+s2+$0x0], $0xffff  }
0xf4: {  	v1 =	vld.idx.msk [tilespmem:v9+s2+$0x0], $0xffff;
	v7 =	vmul.f32 v11, v0  }
0xf5: {  	s21 =	simm.s32 $0x0;
	s24 =	simm.s32 $0x188F0;
	s20 =	simm.s32 $0x197F0;
	v2 =	vld.idx.msk [tilespmem:v10+s2+$0x0], $0xffff;
	v8 =	vmul.f32 v12, v0  }
.LBB2_9:
0xf6: {  	v9 =	vld [tilespmem:s24+$0x0];
	s21 =	sadd.s32 $0x80, s21;
	v6 =	vmul.f32 v6, v0;
	[tilespmem:s20+$0x0] =	vst v7  }
0xf7: {  	v5 =	vmul.f32 v5, v0;
	v7 =	vld [tilespmem:s24+$0xFFFFFFA0];
	p0 =	slt.u32 s21, $0x780;
	[tilespmem:s20+$0xFFFFFFA0] =	vst v8  }
0xf8: {  	v4 =	vmul.f32 v4, v0;
	v8 =	vld [tilespmem:s24+$0xFFFFFFB0];
	[tilespmem:s20+$0xFFFFFFB0] =	vst v6  }
0xf9: {  	v3 =	vmul.f32 v3, v0;
	v10 =	vld [tilespmem:s24+$0xFFFFFFC0];
	[tilespmem:s20+$0xFFFFFFC0] =	vst v5  }
0xfa: {  	v1 =	vmul.f32 v1, v0;
	v11 =	vld [tilespmem:s24+$0xFFFFFFD0];
	[tilespmem:s20+$0xFFFFFFD0] =	vst v4  }
0xfb: {  	v2 =	vmul.f32 v2, v0;
	v12 =	vld [tilespmem:s24+$0xFFFFFFE0];
	[tilespmem:s20+$0xFFFFFFE0] =	vst v3  }
0xfc: {  	v13 =	vld [tilespmem:s24+$0xFFFFFFF0];
	[tilespmem:s20+$0xFFFFFFF0] =	vst v1  }
0xfd: {  	v14 =	vld [tilespmem:s24+$0xFFFFFF90];
	[tilespmem:s20+$0xFFFFFF90] =	vst v2  }
0xfe: {  	v2 =	vld.idx.msk [tilespmem:v9+s2+$0x0], $0xffff  }
0xff: {  	v9 =	vld.idx.msk [tilespmem:v7+s2+$0x0], $0xffff  }
0x100: {  	v6 =	vld.idx.msk [tilespmem:v8+s2+$0x0], $0xffff  }
.Ltmp4:
0x101: {  	v5 =	vld.idx.msk [tilespmem:v10+s2+$0x0], $0xffff;
	(pc) =	sbr.rel @p0 .LBB2_9-.Ltmp4, $4  }
0x102: {  	v4 =	vld.idx.msk [tilespmem:v11+s2+$0x0], $0xffff  }
0x103: {  	v3 =	vld.idx.msk [tilespmem:v12+s2+$0x0], $0xffff  }
0x104: {  	v7 =	vmul.f32 v2, v0;
	v1 =	vld.idx.msk [tilespmem:v13+s2+$0x0], $0xffff  }
0x105: {  	s24 =	sadd.s32 $0x100, s24;
	s20 =	sadd.s32 $0x100, s20;
	v8 =	vmul.f32 v9, v0;
	v2 =	vld.idx.msk [tilespmem:v14+s2+$0x0], $0xffff  }
0x106: {  	v6 =	vmul.f32 v6, v0;
	[tilespmem:s20+$0x0] =	vst v7  }
0x107: {  	v5 =	vmul.f32 v5, v0;
	[tilespmem:s20+$0xFFFFFFA0] =	vst v8  }
0x108: {  	s18 =	sshll.u32 s18, $0xE;
	v4 =	vmul.f32 v4, v0;
	[tilespmem:s20+$0xFFFFFFB0] =	vst v6  }
0x109: {  	s18 =	sand.u32 $0xC000, s18;
	[tilespmem:s20+$0xFFFFFFC0] =	vst v5;
	v3 =	vmul.f32 v3, v0  }
0x10a: {  	s18 =	sor.u32 s22, s18;
	[tilespmem:s20+$0xFFFFFFD0] =	vst v4;
	v1 =	vmul.f32 v1, v0  }
0x10b: {  	s18 =	sor.u32 s19, s18;
	v2 =	vmul.f32 v2, v0;
	[tilespmem:s20+$0xFFFFFFE0] =	vst v3  }
0x10c: {  	s18 =	sshrl.u32 s18, $0x3;
	[tilespmem:s20+$0xFFFFFFF0] =	vst v1  }
0x10d: {  	s18 =	sadd.s32 s1, s18;
	[tilespmem:s20+$0xFFFFFF90] =	vst v2  }
0x10e: {  	[hbm4b:s18+s2] =	stream.linear.scatter [tilespmem:s0], [sflag:$0x4], $0x80, $0x38;
	[tilespmem:$0x1A780] =	vst v63  }
0x10f: {  	s21 =	sadd.s32 $0x80, s18  }
0x110: {  	[hbm4b:s21+s2] =	stream.linear.scatter [tilespmem:s3], [sflag:$0x4], $0x80, $0x38;
	[tilespmem:$0x1A780] =	vst v63  }
0x111: {  	s24 =	sadd.s32 $0x100, s18  }
0x112: {  	[hbm4b:s24+s2] =	stream.linear.scatter [tilespmem:s28], [sflag:$0x4], $0x80, $0x38;
	[tilespmem:$0x1A780] =	vst v63  }
0x113: {  	s20 =	sadd.s32 $0x180, s18  }
0x114: {  	[hbm4b:s20+s2] =	stream.linear.scatter [tilespmem:s5], [sflag:$0x4], $0x80, $0x38;
	[tilespmem:$0x1A780] =	vst v63  }
0x115: {  	s21 =	sadd.s32 $0x200, s18  }
0x116: {  	[hbm4b:s21+s2] =	stream.linear.scatter [tilespmem:s6], [sflag:$0x4], $0x80, $0x38;
	[tilespmem:$0x1A780] =	vst v63  }
0x117: {  	s24 =	sadd.s32 $0x280, s18  }
0x118: {  	[hbm4b:s24+s2] =	stream.linear.scatter [tilespmem:s8], [sflag:$0x4], $0x80, $0x38;
	[tilespmem:$0x1A780] =	vst v63  }
0x119: {  	s20 =	sadd.s32 $0x300, s18  }
0x11a: {  	[hbm4b:s20+s2] =	stream.linear.scatter [tilespmem:s9], [sflag:$0x4], $0x80, $0x38;
	[tilespmem:$0x1A780] =	vst v63  }
0x11b: {  	s21 =	sadd.s32 $0x380, s18  }
0x11c: {  	[hbm4b:s21+s2] =	stream.linear.scatter [tilespmem:s31], [sflag:$0x4], $0x80, $0x38;
	[tilespmem:$0x1A780] =	vst v63  }
0x11d: {  	s24 =	sadd.s32 $0x400, s18  }
0x11e: {  	[hbm4b:s24+s2] =	stream.linear.scatter [tilespmem:s10], [sflag:$0x4], $0x80, $0x38;
	[tilespmem:$0x1A780] =	vst v63  }
0x11f: {  	s20 =	sadd.s32 $0x480, s18  }
0x120: {  	[hbm4b:s20+s2] =	stream.linear.scatter [tilespmem:s11], [sflag:$0x4], $0x80, $0x38;
	[tilespmem:$0x1A780] =	vst v63  }
0x121: {  	s21 =	sadd.s32 $0x500, s18  }
0x122: {  	[hbm4b:s21+s2] =	stream.linear.scatter [tilespmem:s12], [sflag:$0x4], $0x80, $0x38;
	[tilespmem:$0x1A780] =	vst v63  }
0x123: {  	s24 =	sadd.s32 $0x580, s18  }
0x124: {  	[hbm4b:s24+s2] =	stream.linear.scatter [tilespmem:s13], [sflag:$0x4], $0x80, $0x38;
	[tilespmem:$0x1A780] =	vst v63  }
0x125: {  	s17 =	sadd.s32 $0x1, s17;
	s20 =	sadd.s32 $0x600, s18  }
0x126: {  	[hbm4b:s20+s2] =	stream.linear.scatter [tilespmem:s14], [sflag:$0x4], $0x80, $0x38;
	[tilespmem:$0x1A780] =	vst v63  }
0x127: {  	p0 =	sne.s32 s17, $0x8;
	s21 =	sadd.s32 $0x680, s18  }
0x128: {  	[hbm4b:s21+s2] =	stream.linear.scatter [tilespmem:s15], [sflag:$0x4], $0x80, $0x38;
	[tilespmem:$0x1A780] =	vst v63  }
.Ltmp5:
0x129: {  	_ = 	snop;
	(pc) =	sbr.rel @p0 .LBB2_2-.Ltmp5, $4  }
0x12a: {  	s24 =	sadd.s32 $0x700, s18  }
0x12b: {  	[hbm4b:s24+s2] =	stream.linear.scatter [tilespmem:s16], [sflag:$0x4], $0x80, $0x38;
	[tilespmem:$0x1A780] =	vst v63  }
0x12c: {  	s18 =	sadd.s32 $0x780, s18  }
0x12d: {  	[hbm4b:s18+s2] =	stream.linear.scatter [tilespmem:s7], [sflag:$0x4], $0x80, $0x38;
	[tilespmem:$0x1A780] =	vst v63  }
0x12e: {  	s17 =	simm.s32 $0x3  }
0x12f: {  	_ =	swait.ge [sflag:s17], $0x800  }
0x130: {  	[sflag:s17] =	ssyncset.done $0x0  }
0x131: {  	[sflag:s17] =	ssyncadd.s32 $0xFFFFF800  }
0x132: {  	_ =	swait.ge [sflag:s29], $0x800  }
0x133: {  	s19 =	simm.s32 $0x80;
	s20 =	simm.s32 $0x400;
	[sflag:s29] =	ssyncset.done $0x0  }
0x134: {  	s17 =	simm.s32 $0x0;
	s18 =	rddreg [dreg:$0x7];
	[sflag:s29] =	ssyncadd.s32 $0xFFFFF800  }
0x135: {  	[tilespmem:s17], [sflag:$0x5] =	stream.strided.gather [hbm4b:s18+s19], $0x18700, s20, s19, $0x38;
	[tilespmem:$0x1A780] =	vst v63  }
0x136: {  	s19 =	simm.s32 $0x5  }
0x137: {  	_ =	swait.ge [sflag:s19], $0x18700  }
0x138: {  	[sflag:s19] =	ssyncset.done $0x0  }
0x139: {  	s20 =	simm.s32 $0x18700;
	[sflag:s19] =	ssyncadd.s32 $0xFFFE7900  }
0x13a: {  	[tilespmem:s20], [sflag:$0x1] =	stream.linear.gather [hbm4b:s4+s17], $0x80, $0x38;
	[tilespmem:$0x1A780] =	vst v63  }
0x13b: {  	s24 =	simm.s32 $0x18800;
	s21 =	rddreg [dreg:$0x9]  }
0x13c: {  	[tilespmem:s24], [sflag:$0x1] =	stream.linear.gather [hbm4b:s21+s17], $0x80, $0x38;
	[tilespmem:$0x1A780] =	vst v63  }
0x13d: {  	s19 =	rddreg [dreg:$0xa];
	s20 =	simm.s32 $0x18900  }
0x13e: {  	[tilespmem:s20], [sflag:$0x1] =	stream.linear.gather [hbm4b:s19+s17], $0x80, $0x38;
	[tilespmem:$0x1A780] =	vst v63  }
0x13f: {  	s21 =	rddreg [dreg:$0xb];
	s24 =	simm.s32 $0x18A00  }
0x140: {  	[tilespmem:s24], [sflag:$0x1] =	stream.linear.gather [hbm4b:s21+s17], $0x80, $0x38;
	[tilespmem:$0x1A780] =	vst v63  }
0x141: {  	s19 =	rddreg [dreg:$0xc];
	s20 =	simm.s32 $0x18B00  }
0x142: {  	[tilespmem:s20], [sflag:$0x1] =	stream.linear.gather [hbm4b:s19+s17], $0x80, $0x38;
	[tilespmem:$0x1A780] =	vst v63  }
0x143: {  	s21 =	rddreg [dreg:$0xd];
	s24 =	simm.s32 $0x18C00  }
0x144: {  	[tilespmem:s24], [sflag:$0x1] =	stream.linear.gather [hbm4b:s21+s17], $0x80, $0x38;
	[tilespmem:$0x1A780] =	vst v63  }
0x145: {  	s19 =	rddreg [dreg:$0xe];
	s20 =	simm.s32 $0x18D00  }
0x146: {  	[tilespmem:s20], [sflag:$0x1] =	stream.linear.gather [hbm4b:s19+s17], $0x80, $0x38;
	[tilespmem:$0x1A780] =	vst v63  }
0x147: {  	s21 =	rddreg [dreg:$0xf];
	s24 =	simm.s32 $0x18E00  }
0x148: {  	[tilespmem:s24], [sflag:$0x1] =	stream.linear.gather [hbm4b:s21+s17], $0x80, $0x38;
	[tilespmem:$0x1A780] =	vst v63  }
0x149: {  	s19 =	rddreg [dreg:$0x10];
	s20 =	simm.s32 $0x18F00  }
0x14a: {  	[tilespmem:s20], [sflag:$0x1] =	stream.linear.gather [hbm4b:s19+s17], $0x80, $0x38;
	[tilespmem:$0x1A780] =	vst v63  }
0x14b: {  	s21 =	rddreg [dreg:$0x11];
	s24 =	simm.s32 $0x19000  }
0x14c: {  	[tilespmem:s24], [sflag:$0x1] =	stream.linear.gather [hbm4b:s21+s17], $0x80, $0x38;
	[tilespmem:$0x1A780] =	vst v63  }
0x14d: {  	s19 =	rddreg [dreg:$0x12];
	s20 =	simm.s32 $0x19100  }
0x14e: {  	[tilespmem:s20], [sflag:$0x1] =	stream.linear.gather [hbm4b:s19+s17], $0x80, $0x38;
	[tilespmem:$0x1A780] =	vst v63  }
0x14f: {  	s21 =	rddreg [dreg:$0x13];
	s24 =	simm.s32 $0x19200  }
0x150: {  	[tilespmem:s24], [sflag:$0x1] =	stream.linear.gather [hbm4b:s21+s17], $0x80, $0x38;
	[tilespmem:$0x1A780] =	vst v63  }
0x151: {  	s19 =	rddreg [dreg:$0x14];
	s20 =	simm.s32 $0x19300  }
0x152: {  	[tilespmem:s20], [sflag:$0x1] =	stream.linear.gather [hbm4b:s19+s17], $0x80, $0x38;
	[tilespmem:$0x1A780] =	vst v63  }
0x153: {  	s21 =	rddreg [dreg:$0x15];
	s24 =	simm.s32 $0x19400  }
0x154: {  	[tilespmem:s24], [sflag:$0x1] =	stream.linear.gather [hbm4b:s21+s17], $0x80, $0x38;
	[tilespmem:$0x1A780] =	vst v63  }
0x155: {  	s19 =	rddreg [dreg:$0x16];
	s20 =	simm.s32 $0x19500  }
0x156: {  	[tilespmem:s20], [sflag:$0x1] =	stream.linear.gather [hbm4b:s19+s17], $0x80, $0x38;
	[tilespmem:$0x1A780] =	vst v63  }
0x157: {  	s21 =	rddreg [dreg:$0x17];
	s24 =	simm.s32 $0x19600  }
0x158: {  	[tilespmem:s24], [sflag:$0x1] =	stream.linear.gather [hbm4b:s21+s17], $0x80, $0x38;
	[tilespmem:$0x1A780] =	vst v63  }
.LBB2_12:
0x159: {  	s18 =	sshllo.u32 s17, $0x1  }
0x15a: {  	s19 =	sshll.u32 s18, $0x8  }
0x15b: {  	s20 =	simm.s32 $0x18780;
	s19 =	sadd.s32 s4, s19  }
0x15c: {  	[tilespmem:s20], [sflag:$0x2] =	stream.linear.gather [hbm4b:s19+s2], $0x80, $0x38;
	[tilespmem:$0x1A780] =	vst v63  }
0x15d: {  	s21 =	simm.s32 $0x18880;
	s24 =	sadd.s32 $0x10, s19  }
0x15e: {  	[tilespmem:s21], [sflag:$0x2] =	stream.linear.gather [hbm4b:s24+s2], $0x80, $0x38;
	[tilespmem:$0x1A780] =	vst v63  }
0x15f: {  	s21 =	sadd.s32 $0x20, s19;
	s24 =	simm.s32 $0x18980  }
0x160: {  	[tilespmem:s24], [sflag:$0x2] =	stream.linear.gather [hbm4b:s21+s2], $0x80, $0x38;
	[tilespmem:$0x1A780] =	vst v63  }
0x161: {  	s21 =	sadd.s32 $0x30, s19;
	s24 =	simm.s32 $0x18A80  }
0x162: {  	[tilespmem:s24], [sflag:$0x2] =	stream.linear.gather [hbm4b:s21+s2], $0x80, $0x38;
	[tilespmem:$0x1A780] =	vst v63  }
0x163: {  	s21 =	sadd.s32 $0x40, s19;
	s24 =	simm.s32 $0x18B80  }
0x164: {  	[tilespmem:s24], [sflag:$0x2] =	stream.linear.gather [hbm4b:s21+s2], $0x80, $0x38;
	[tilespmem:$0x1A780] =	vst v63  }
0x165: {  	s21 =	sadd.s32 $0x50, s19;
	s24 =	simm.s32 $0x18C80  }
0x166: {  	[tilespmem:s24], [sflag:$0x2] =	stream.linear.gather [hbm4b:s21+s2], $0x80, $0x38;
	[tilespmem:$0x1A780] =	vst v63  }
0x167: {  	s21 =	sadd.s32 $0x60, s19;
	s24 =	simm.s32 $0x18D80  }
0x168: {  	[tilespmem:s24], [sflag:$0x2] =	stream.linear.gather [hbm4b:s21+s2], $0x80, $0x38;
	[tilespmem:$0x1A780] =	vst v63  }
0x169: {  	s21 =	sadd.s32 $0x70, s19;
	s24 =	simm.s32 $0x18E80  }
0x16a: {  	[tilespmem:s24], [sflag:$0x2] =	stream.linear.gather [hbm4b:s21+s2], $0x80, $0x38;
	[tilespmem:$0x1A780] =	vst v63  }
0x16b: {  	s21 =	sadd.s32 $0x80, s19;
	s24 =	simm.s32 $0x18F80  }
0x16c: {  	[tilespmem:s24], [sflag:$0x2] =	stream.linear.gather [hbm4b:s21+s2], $0x80, $0x38;
	[tilespmem:$0x1A780] =	vst v63  }
0x16d: {  	s21 =	sadd.s32 $0x90, s19;
	s24 =	simm.s32 $0x19080  }
0x16e: {  	[tilespmem:s24], [sflag:$0x2] =	stream.linear.gather [hbm4b:s21+s2], $0x80, $0x38;
	[tilespmem:$0x1A780] =	vst v63  }
0x16f: {  	s21 =	sadd.s32 $0xA0, s19;
	s24 =	simm.s32 $0x19180  }
0x170: {  	[tilespmem:s24], [sflag:$0x2] =	stream.linear.gather [hbm4b:s21+s2], $0x80, $0x38;
	[tilespmem:$0x1A780] =	vst v63  }
0x171: {  	s21 =	sadd.s32 $0xB0, s19;
	s24 =	simm.s32 $0x19280  }
0x172: {  	[tilespmem:s24], [sflag:$0x2] =	stream.linear.gather [hbm4b:s21+s2], $0x80, $0x38;
	[tilespmem:$0x1A780] =	vst v63  }
0x173: {  	s21 =	sadd.s32 $0xC0, s19;
	s24 =	simm.s32 $0x19380  }
0x174: {  	[tilespmem:s24], [sflag:$0x2] =	stream.linear.gather [hbm4b:s21+s2], $0x80, $0x38;
	[tilespmem:$0x1A780] =	vst v63  }
0x175: {  	s21 =	sadd.s32 $0xD0, s19;
	s24 =	simm.s32 $0x19480  }
0x176: {  	[tilespmem:s24], [sflag:$0x2] =	stream.linear.gather [hbm4b:s21+s2], $0x80, $0x38;
	[tilespmem:$0x1A780] =	vst v63  }
0x177: {  	s21 =	sadd.s32 $0xE0, s19;
	s24 =	simm.s32 $0x19580  }
0x178: {  	[tilespmem:s24], [sflag:$0x2] =	stream.linear.gather [hbm4b:s21+s2], $0x80, $0x38;
	[tilespmem:$0x1A780] =	vst v63  }
0x179: {  	s19 =	sadd.s32 $0xF0, s19;
	s21 =	simm.s32 $0x19680  }
0x17a: {  	[tilespmem:s21], [sflag:$0x2] =	stream.linear.gather [hbm4b:s19+s2], $0x80, $0x38;
	[tilespmem:$0x1A780] =	vst v63  }
0x17b: {  	_ =	swait.ge [sflag:s30], $0x800  }
0x17c: {  	p0 =	seq.s32 s17, $0x0;
	[sflag:s30] =	ssyncset.done $0x0  }
0x17d: {  	s19 =	simm.s32 @!p0 $0x3;
	[sflag:s30] =	ssyncadd.s32 $0xFFFFF800  }
0x17e: {  	_ =	swait.ge @!p0 [sflag:s19], $0x800  }
0x17f: {  	[sflag:s19] =	ssyncset.done @!p0 $0x0  }
0x180: {  	s24 =	simm.s32 $0x18740;
	[sflag:s19] =	ssyncadd.s32 @!p0 $0xFFFFF800  }
0x181: {  	v1 =	vld [tilespmem:s24+$0x30]  }
0x182: {  	v2 =	vld [tilespmem:s24+$0xFFFFFFD0]  }
0x183: {  	v3 =	vld [tilespmem:s24+$0xFFFFFFE0]  }
0x184: {  	v4 =	vld [tilespmem:s24+$0xFFFFFFF0]  }
0x185: {  	v7 =	vld [tilespmem:s24+$0x0]  }
0x186: {  	v8 =	vld [tilespmem:s24+$0x10]  }
0x187: {  	v9 =	vld [tilespmem:s24+$0x20]  }
0x188: {  	v10 =	vld [tilespmem:s24+$0xFFFFFFC0]  }
0x189: {  	v11 =	vld.idx.msk [tilespmem:v1+s2+$0x0], $0xffff  }
0x18a: {  	v12 =	vld.idx.msk [tilespmem:v2+s2+$0x0], $0xffff  }
0x18b: {  	v6 =	vld.idx.msk [tilespmem:v3+s2+$0x0], $0xffff  }
0x18c: {  	v5 =	vld.idx.msk [tilespmem:v4+s2+$0x0], $0xffff  }
0x18d: {  	v4 =	vld.idx.msk [tilespmem:v7+s2+$0x0], $0xffff  }
0x18e: {  	v3 =	vld.idx.msk [tilespmem:v8+s2+$0x0], $0xffff  }
0x18f: {  	v1 =	vld.idx.msk [tilespmem:v9+s2+$0x0], $0xffff;
	v7 =	vmul.f32 v11, v0  }
0x190: {  	s20 =	simm.s32 $0x19740;
	s21 =	simm.s32 $0x18840;
	s19 =	simm.s32 $0x0;
	v2 =	vld.idx.msk [tilespmem:v10+s2+$0x0], $0xffff;
	v8 =	vmul.f32 v12, v0  }
.LBB2_13:
0x191: {  	v9 =	vld [tilespmem:s21+$0x30];
	s19 =	sadd.s32 $0x80, s19;
	v6 =	vmul.f32 v6, v0;
	[tilespmem:s20+$0x30] =	vst v7  }
0x192: {  	v5 =	vmul.f32 v5, v0;
	v7 =	vld [tilespmem:s21+$0xFFFFFFD0];
	p1 =	slt.u32 s19, $0x780;
	[tilespmem:s20+$0xFFFFFFD0] =	vst v8  }
0x193: {  	v4 =	vmul.f32 v4, v0;
	v8 =	vld [tilespmem:s21+$0xFFFFFFE0];
	[tilespmem:s20+$0xFFFFFFE0] =	vst v6  }
0x194: {  	v3 =	vmul.f32 v3, v0;
	v10 =	vld [tilespmem:s21+$0xFFFFFFF0];
	[tilespmem:s20+$0xFFFFFFF0] =	vst v5  }
0x195: {  	v1 =	vmul.f32 v1, v0;
	v11 =	vld [tilespmem:s21+$0x0];
	[tilespmem:s20+$0x0] =	vst v4  }
0x196: {  	v2 =	vmul.f32 v2, v0;
	v12 =	vld [tilespmem:s21+$0x10];
	[tilespmem:s20+$0x10] =	vst v3  }
0x197: {  	v13 =	vld [tilespmem:s21+$0x20];
	[tilespmem:s20+$0x20] =	vst v1  }
0x198: {  	v14 =	vld [tilespmem:s21+$0xFFFFFFC0];
	[tilespmem:s20+$0xFFFFFFC0] =	vst v2  }
0x199: {  	v2 =	vld.idx.msk [tilespmem:v9+s2+$0x0], $0xffff  }
0x19a: {  	v9 =	vld.idx.msk [tilespmem:v7+s2+$0x0], $0xffff  }
0x19b: {  	v6 =	vld.idx.msk [tilespmem:v8+s2+$0x0], $0xffff  }
.Ltmp6:
0x19c: {  	v5 =	vld.idx.msk [tilespmem:v10+s2+$0x0], $0xffff;
	(pc) =	sbr.rel @p1 .LBB2_13-.Ltmp6, $4  }
0x19d: {  	v4 =	vld.idx.msk [tilespmem:v11+s2+$0x0], $0xffff  }
0x19e: {  	v3 =	vld.idx.msk [tilespmem:v12+s2+$0x0], $0xffff  }
0x19f: {  	v7 =	vmul.f32 v2, v0;
	v1 =	vld.idx.msk [tilespmem:v13+s2+$0x0], $0xffff  }
0x1a0: {  	s21 =	sadd.s32 $0x100, s21;
	s20 =	sadd.s32 $0x100, s20;
	v8 =	vmul.f32 v9, v0;
	v2 =	vld.idx.msk [tilespmem:v14+s2+$0x0], $0xffff  }
0x1a1: {  	v6 =	vmul.f32 v6, v0;
	[tilespmem:s20+$0x30] =	vst v7  }
0x1a2: {  	v5 =	vmul.f32 v5, v0;
	[tilespmem:s20+$0xFFFFFFD0] =	vst v8  }
0x1a3: {  	s19 =	sshll.u32 s17, $0xF;
	v4 =	vmul.f32 v4, v0;
	[tilespmem:s20+$0xFFFFFFE0] =	vst v6  }
0x1a4: {  	s21 =	sshll.u32 s17, $0x12;
	s24 =	sand.u32 $0x8000, s19;
	[tilespmem:s20+$0xFFFFFFF0] =	vst v5;
	v3 =	vmul.f32 v3, v0  }
0x1a5: {  	s19 =	sand.u32 $0x180000, s21;
	s24 =	sor.u32 s23, s24;
	[tilespmem:s20+$0x0] =	vst v4;
	v1 =	vmul.f32 v1, v0  }
0x1a6: {  	s21 =	sor.u32 s19, s24;
	v2 =	vmul.f32 v2, v0;
	[tilespmem:s20+$0x10] =	vst v3  }
0x1a7: {  	s21 =	sshrl.u32 s21, $0x3;
	[tilespmem:s20+$0x20] =	vst v1  }
0x1a8: {  	s24 =	simm.s32 $0x19700;
	[tilespmem:s20+$0xFFFFFFC0] =	vst v2;
	s20 =	sadd.s32 s1, s21  }
0x1a9: {  	[hbm4b:s20+s2] =	stream.linear.scatter [tilespmem:s24], [sflag:$0x3], $0x80, $0x38;
	[tilespmem:$0x1A780] =	vst v63  }
0x1aa: {  	s21 =	sadd.s32 $0x80, s20;
	s24 =	simm.s32 $0x19800  }
0x1ab: {  	[hbm4b:s21+s2] =	stream.linear.scatter [tilespmem:s24], [sflag:$0x3], $0x80, $0x38;
	[tilespmem:$0x1A780] =	vst v63  }
0x1ac: {  	s21 =	sadd.s32 $0x100, s20;
	s24 =	simm.s32 $0x19900  }
0x1ad: {  	[hbm4b:s21+s2] =	stream.linear.scatter [tilespmem:s24], [sflag:$0x3], $0x80, $0x38;
	[tilespmem:$0x1A780] =	vst v63  }
0x1ae: {  	s21 =	sadd.s32 $0x180, s20;
	s24 =	simm.s32 $0x19A00  }
0x1af: {  	[hbm4b:s21+s2] =	stream.linear.scatter [tilespmem:s24], [sflag:$0x3], $0x80, $0x38;
	[tilespmem:$0x1A780] =	vst v63  }
0x1b0: {  	s21 =	sadd.s32 $0x200, s20;
	s24 =	simm.s32 $0x19B00  }
0x1b1: {  	[hbm4b:s21+s2] =	stream.linear.scatter [tilespmem:s24], [sflag:$0x3], $0x80, $0x38;
	[tilespmem:$0x1A780] =	vst v63  }
0x1b2: {  	s21 =	sadd.s32 $0x280, s20;
	s24 =	simm.s32 $0x19C00  }
0x1b3: {  	[hbm4b:s21+s2] =	stream.linear.scatter [tilespmem:s24], [sflag:$0x3], $0x80, $0x38;
	[tilespmem:$0x1A780] =	vst v63  }
0x1b4: {  	s21 =	sadd.s32 $0x300, s20;
	s24 =	simm.s32 $0x19D00  }
0x1b5: {  	[hbm4b:s21+s2] =	stream.linear.scatter [tilespmem:s24], [sflag:$0x3], $0x80, $0x38;
	[tilespmem:$0x1A780] =	vst v63  }
0x1b6: {  	s21 =	sadd.s32 $0x380, s20;
	s24 =	simm.s32 $0x19E00  }
0x1b7: {  	[hbm4b:s21+s2] =	stream.linear.scatter [tilespmem:s24], [sflag:$0x3], $0x80, $0x38;
	[tilespmem:$0x1A780] =	vst v63  }
0x1b8: {  	s21 =	sadd.s32 $0x400, s20;
	s24 =	simm.s32 $0x19F00  }
0x1b9: {  	[hbm4b:s21+s2] =	stream.linear.scatter [tilespmem:s24], [sflag:$0x3], $0x80, $0x38;
	[tilespmem:$0x1A780] =	vst v63  }
0x1ba: {  	s21 =	sadd.s32 $0x480, s20;
	s24 =	simm.s32 $0x1A000  }
0x1bb: {  	[hbm4b:s21+s2] =	stream.linear.scatter [tilespmem:s24], [sflag:$0x3], $0x80, $0x38;
	[tilespmem:$0x1A780] =	vst v63  }
0x1bc: {  	s21 =	sadd.s32 $0x500, s20;
	s24 =	simm.s32 $0x1A100  }
0x1bd: {  	[hbm4b:s21+s2] =	stream.linear.scatter [tilespmem:s24], [sflag:$0x3], $0x80, $0x38;
	[tilespmem:$0x1A780] =	vst v63  }
0x1be: {  	s21 =	sadd.s32 $0x580, s20;
	s24 =	simm.s32 $0x1A200  }
0x1bf: {  	[hbm4b:s21+s2] =	stream.linear.scatter [tilespmem:s24], [sflag:$0x3], $0x80, $0x38;
	[tilespmem:$0x1A780] =	vst v63  }
0x1c0: {  	s21 =	sadd.s32 $0x600, s20;
	s24 =	simm.s32 $0x1A300  }
0x1c1: {  	[hbm4b:s21+s2] =	stream.linear.scatter [tilespmem:s24], [sflag:$0x3], $0x80, $0x38;
	[tilespmem:$0x1A780] =	vst v63  }
0x1c2: {  	p1 =	sne.s32 s17, $0x7;
	s21 =	sadd.s32 $0x680, s20;
	s24 =	simm.s32 $0x1A400  }
0x1c3: {  	[hbm4b:s21+s2] =	stream.linear.scatter [tilespmem:s24], [sflag:$0x3], $0x80, $0x38;
	[tilespmem:$0x1A780] =	vst v63  }
.Ltmp7:
0x1c4: {  	_ = 	snop;
	(pc) =	sbr.rel @p1 .LBB2_16-.Ltmp7, $4  }
0x1c5: {  	s21 =	sadd.s32 $0x700, s20;
	s24 =	simm.s32 $0x1A500  }
0x1c6: {  	[hbm4b:s21+s2] =	stream.linear.scatter [tilespmem:s24], [sflag:$0x3], $0x80, $0x38;
	[tilespmem:$0x1A780] =	vst v63  }
0x1c7: {  	s20 =	sadd.s32 $0x780, s20  }
0x1c8: {  	[hbm4b:s20+s2] =	stream.linear.scatter [tilespmem:s25], [sflag:$0x3], $0x80, $0x38;
	[tilespmem:$0x1A780] =	vst v63  }
.Ltmp8:
0x1c9: {  	(pc) =	sbr.rel .LBB2_17-.Ltmp8, $4  }
0x1ca: {  	_ = 	snop  }
0x1cb: {  	_ =	swait.ge [sflag:s26], $0x800  }
0x1cc: {  	[sflag:s26] =	ssyncset.done $0x0  }
0x1cd: {  	[sflag:s26] =	ssyncadd.s32 $0xFFFFF800  }
.LBB2_16:
0x1ce: {  	s20 =	sshll.u32 s17, $0x9;
	s21 =	rddreg [dreg:$0x6]  }
0x1cf: {  	s24 =	simm.s32 $0x18700;
	s20 =	sadd.s32 s20, s21  }
0x1d0: {  	[tilespmem:s24], [sflag:$0x1] =	stream.linear.gather [hbm4b:s20+s2], $0x80, $0x38;
	[tilespmem:$0x1A780] =	vst v63  }
0x1d1: {  	s21 =	sadd.s32 $0x10, s20;
	s24 =	simm.s32 $0x18800  }
0x1d2: {  	[tilespmem:s24], [sflag:$0x1] =	stream.linear.gather [hbm4b:s21+s2], $0x80, $0x38;
	[tilespmem:$0x1A780] =	vst v63  }
0x1d3: {  	s21 =	sadd.s32 $0x20, s20;
	s24 =	simm.s32 $0x18900  }
0x1d4: {  	[tilespmem:s24], [sflag:$0x1] =	stream.linear.gather [hbm4b:s21+s2], $0x80, $0x38;
	[tilespmem:$0x1A780] =	vst v63  }
0x1d5: {  	s21 =	sadd.s32 $0x30, s20;
	s24 =	simm.s32 $0x18A00  }
0x1d6: {  	[tilespmem:s24], [sflag:$0x1] =	stream.linear.gather [hbm4b:s21+s2], $0x80, $0x38;
	[tilespmem:$0x1A780] =	vst v63  }
0x1d7: {  	s21 =	sadd.s32 $0x40, s20;
	s24 =	simm.s32 $0x18B00  }
0x1d8: {  	[tilespmem:s24], [sflag:$0x1] =	stream.linear.gather [hbm4b:s21+s2], $0x80, $0x38;
	[tilespmem:$0x1A780] =	vst v63  }
0x1d9: {  	s21 =	sadd.s32 $0x50, s20;
	s24 =	simm.s32 $0x18C00  }
0x1da: {  	[tilespmem:s24], [sflag:$0x1] =	stream.linear.gather [hbm4b:s21+s2], $0x80, $0x38;
	[tilespmem:$0x1A780] =	vst v63  }
0x1db: {  	s21 =	sadd.s32 $0x60, s20;
	s24 =	simm.s32 $0x18D00  }
0x1dc: {  	[tilespmem:s24], [sflag:$0x1] =	stream.linear.gather [hbm4b:s21+s2], $0x80, $0x38;
	[tilespmem:$0x1A780] =	vst v63  }
0x1dd: {  	s21 =	sadd.s32 $0x70, s20;
	s24 =	simm.s32 $0x18E00  }
0x1de: {  	[tilespmem:s24], [sflag:$0x1] =	stream.linear.gather [hbm4b:s21+s2], $0x80, $0x38;
	[tilespmem:$0x1A780] =	vst v63  }
0x1df: {  	s21 =	sadd.s32 $0x80, s20;
	s24 =	simm.s32 $0x18F00  }
0x1e0: {  	[tilespmem:s24], [sflag:$0x1] =	stream.linear.gather [hbm4b:s21+s2], $0x80, $0x38;
	[tilespmem:$0x1A780] =	vst v63  }
0x1e1: {  	s21 =	sadd.s32 $0x90, s20;
	s24 =	simm.s32 $0x19000  }
0x1e2: {  	[tilespmem:s24], [sflag:$0x1] =	stream.linear.gather [hbm4b:s21+s2], $0x80, $0x38;
	[tilespmem:$0x1A780] =	vst v63  }
0x1e3: {  	s21 =	sadd.s32 $0xA0, s20;
	s24 =	simm.s32 $0x19100  }
0x1e4: {  	[tilespmem:s24], [sflag:$0x1] =	stream.linear.gather [hbm4b:s21+s2], $0x80, $0x38;
	[tilespmem:$0x1A780] =	vst v63  }
0x1e5: {  	s21 =	sadd.s32 $0xB0, s20;
	s24 =	simm.s32 $0x19200  }
0x1e6: {  	[tilespmem:s24], [sflag:$0x1] =	stream.linear.gather [hbm4b:s21+s2], $0x80, $0x38;
	[tilespmem:$0x1A780] =	vst v63  }
0x1e7: {  	s21 =	sadd.s32 $0xC0, s20;
	s24 =	simm.s32 $0x19300  }
0x1e8: {  	[tilespmem:s24], [sflag:$0x1] =	stream.linear.gather [hbm4b:s21+s2], $0x80, $0x38;
	[tilespmem:$0x1A780] =	vst v63  }
0x1e9: {  	s21 =	sadd.s32 $0xD0, s20;
	s24 =	simm.s32 $0x19400  }
0x1ea: {  	[tilespmem:s24], [sflag:$0x1] =	stream.linear.gather [hbm4b:s21+s2], $0x80, $0x38;
	[tilespmem:$0x1A780] =	vst v63  }
0x1eb: {  	s21 =	sadd.s32 $0xE0, s20;
	s24 =	simm.s32 $0x19500  }
0x1ec: {  	[tilespmem:s24], [sflag:$0x1] =	stream.linear.gather [hbm4b:s21+s2], $0x80, $0x38;
	[tilespmem:$0x1A780] =	vst v63  }
.Ltmp9:
0x1ed: {  	s20 =	sadd.s32 $0xF0, s20;
	s24 =	simm.s32 $0x19600;
	(pc) =	sbr.rel @p0 .LBB2_18-.Ltmp9, $4  }
0x1ee: {  	[tilespmem:s24], [sflag:$0x1] =	stream.linear.gather [hbm4b:s20+s2], $0x80, $0x38;
	[tilespmem:$0x1A780] =	vst v63  }
0x1ef: {  	_ =	swait.ge [sflag:s26], $0x800  }
0x1f0: {  	[sflag:s26] =	ssyncset.done $0x0  }
0x1f1: {  	[sflag:s26] =	ssyncadd.s32 $0xFFFFF800  }
.LBB2_17:
0x1f2: {  	_ =	swait.ge [sflag:s29], $0x800  }
0x1f3: {  	[sflag:s29] =	ssyncset.done $0x0  }
0x1f4: {  	[sflag:s29] =	ssyncadd.s32 $0xFFFFF800  }
.LBB2_18:
0x1f5: {  	s20 =	simm.s32 $0x187F0  }
0x1f6: {  	v1 =	vld [tilespmem:s20+$0x0]  }
0x1f7: {  	v2 =	vld [tilespmem:s20+$0xFFFFFFA0]  }
0x1f8: {  	v3 =	vld [tilespmem:s20+$0xFFFFFFB0]  }
0x1f9: {  	v4 =	vld [tilespmem:s20+$0xFFFFFFC0]  }
0x1fa: {  	v7 =	vld [tilespmem:s20+$0xFFFFFFD0]  }
0x1fb: {  	v8 =	vld [tilespmem:s20+$0xFFFFFFE0]  }
0x1fc: {  	v9 =	vld [tilespmem:s20+$0xFFFFFFF0]  }
0x1fd: {  	v10 =	vld [tilespmem:s20+$0xFFFFFF90]  }
0x1fe: {  	v11 =	vld.idx.msk [tilespmem:v1+s2+$0x0], $0xffff  }
0x1ff: {  	v12 =	vld.idx.msk [tilespmem:v2+s2+$0x0], $0xffff  }
0x200: {  	v6 =	vld.idx.msk [tilespmem:v3+s2+$0x0], $0xffff  }
0x201: {  	v5 =	vld.idx.msk [tilespmem:v4+s2+$0x0], $0xffff  }
0x202: {  	v4 =	vld.idx.msk [tilespmem:v7+s2+$0x0], $0xffff  }
0x203: {  	v3 =	vld.idx.msk [tilespmem:v8+s2+$0x0], $0xffff  }
0x204: {  	v1 =	vld.idx.msk [tilespmem:v9+s2+$0x0], $0xffff;
	v7 =	vmul.f32 v11, v0  }
0x205: {  	s21 =	simm.s32 $0x0;
	s24 =	simm.s32 $0x188F0;
	s20 =	simm.s32 $0x197F0;
	v2 =	vld.idx.msk [tilespmem:v10+s2+$0x0], $0xffff;
	v8 =	vmul.f32 v12, v0  }
.LBB2_19:
0x206: {  	v9 =	vld [tilespmem:s24+$0x0];
	s21 =	sadd.s32 $0x80, s21;
	v6 =	vmul.f32 v6, v0;
	[tilespmem:s20+$0x0] =	vst v7  }
0x207: {  	v5 =	vmul.f32 v5, v0;
	v7 =	vld [tilespmem:s24+$0xFFFFFFA0];
	p0 =	slt.u32 s21, $0x780;
	[tilespmem:s20+$0xFFFFFFA0] =	vst v8  }
0x208: {  	v4 =	vmul.f32 v4, v0;
	v8 =	vld [tilespmem:s24+$0xFFFFFFB0];
	[tilespmem:s20+$0xFFFFFFB0] =	vst v6  }
0x209: {  	v3 =	vmul.f32 v3, v0;
	v10 =	vld [tilespmem:s24+$0xFFFFFFC0];
	[tilespmem:s20+$0xFFFFFFC0] =	vst v5  }
0x20a: {  	v1 =	vmul.f32 v1, v0;
	v11 =	vld [tilespmem:s24+$0xFFFFFFD0];
	[tilespmem:s20+$0xFFFFFFD0] =	vst v4  }
0x20b: {  	v2 =	vmul.f32 v2, v0;
	v12 =	vld [tilespmem:s24+$0xFFFFFFE0];
	[tilespmem:s20+$0xFFFFFFE0] =	vst v3  }
0x20c: {  	v13 =	vld [tilespmem:s24+$0xFFFFFFF0];
	[tilespmem:s20+$0xFFFFFFF0] =	vst v1  }
0x20d: {  	v14 =	vld [tilespmem:s24+$0xFFFFFF90];
	[tilespmem:s20+$0xFFFFFF90] =	vst v2  }
0x20e: {  	v2 =	vld.idx.msk [tilespmem:v9+s2+$0x0], $0xffff  }
0x20f: {  	v9 =	vld.idx.msk [tilespmem:v7+s2+$0x0], $0xffff  }
0x210: {  	v6 =	vld.idx.msk [tilespmem:v8+s2+$0x0], $0xffff  }
.Ltmp10:
0x211: {  	v5 =	vld.idx.msk [tilespmem:v10+s2+$0x0], $0xffff;
	(pc) =	sbr.rel @p0 .LBB2_19-.Ltmp10, $4  }
0x212: {  	v4 =	vld.idx.msk [tilespmem:v11+s2+$0x0], $0xffff  }
0x213: {  	v3 =	vld.idx.msk [tilespmem:v12+s2+$0x0], $0xffff  }
0x214: {  	v7 =	vmul.f32 v2, v0;
	v1 =	vld.idx.msk [tilespmem:v13+s2+$0x0], $0xffff  }
0x215: {  	s24 =	sadd.s32 $0x100, s24;
	s20 =	sadd.s32 $0x100, s20;
	v8 =	vmul.f32 v9, v0;
	v2 =	vld.idx.msk [tilespmem:v14+s2+$0x0], $0xffff  }
0x216: {  	v6 =	vmul.f32 v6, v0;
	[tilespmem:s20+$0x0] =	vst v7  }
0x217: {  	v5 =	vmul.f32 v5, v0;
	[tilespmem:s20+$0xFFFFFFA0] =	vst v8  }
0x218: {  	s18 =	sshll.u32 s18, $0xE;
	v4 =	vmul.f32 v4, v0;
	[tilespmem:s20+$0xFFFFFFB0] =	vst v6  }
0x219: {  	s18 =	sand.u32 $0xC000, s18;
	[tilespmem:s20+$0xFFFFFFC0] =	vst v5;
	v3 =	vmul.f32 v3, v0  }
0x21a: {  	s18 =	sor.u32 s23, s18;
	[tilespmem:s20+$0xFFFFFFD0] =	vst v4;
	v1 =	vmul.f32 v1, v0  }
0x21b: {  	s18 =	sor.u32 s19, s18;
	v2 =	vmul.f32 v2, v0;
	[tilespmem:s20+$0xFFFFFFE0] =	vst v3  }
0x21c: {  	s18 =	sshrl.u32 s18, $0x3;
	[tilespmem:s20+$0xFFFFFFF0] =	vst v1  }
0x21d: {  	s18 =	sadd.s32 s1, s18;
	[tilespmem:s20+$0xFFFFFF90] =	vst v2  }
0x21e: {  	[hbm4b:s18+s2] =	stream.linear.scatter [tilespmem:s0], [sflag:$0x4], $0x80, $0x38;
	[tilespmem:$0x1A780] =	vst v63  }
0x21f: {  	s21 =	sadd.s32 $0x80, s18  }
0x220: {  	[hbm4b:s21+s2] =	stream.linear.scatter [tilespmem:s3], [sflag:$0x4], $0x80, $0x38;
	[tilespmem:$0x1A780] =	vst v63  }
0x221: {  	s24 =	sadd.s32 $0x100, s18  }
0x222: {  	[hbm4b:s24+s2] =	stream.linear.scatter [tilespmem:s28], [sflag:$0x4], $0x80, $0x38;
	[tilespmem:$0x1A780] =	vst v63  }
0x223: {  	s20 =	sadd.s32 $0x180, s18  }
0x224: {  	[hbm4b:s20+s2] =	stream.linear.scatter [tilespmem:s5], [sflag:$0x4], $0x80, $0x38;
	[tilespmem:$0x1A780] =	vst v63  }
0x225: {  	s21 =	sadd.s32 $0x200, s18  }
0x226: {  	[hbm4b:s21+s2] =	stream.linear.scatter [tilespmem:s6], [sflag:$0x4], $0x80, $0x38;
	[tilespmem:$0x1A780] =	vst v63  }
0x227: {  	s24 =	sadd.s32 $0x280, s18  }
0x228: {  	[hbm4b:s24+s2] =	stream.linear.scatter [tilespmem:s8], [sflag:$0x4], $0x80, $0x38;
	[tilespmem:$0x1A780] =	vst v63  }
0x229: {  	s20 =	sadd.s32 $0x300, s18  }
0x22a: {  	[hbm4b:s20+s2] =	stream.linear.scatter [tilespmem:s9], [sflag:$0x4], $0x80, $0x38;
	[tilespmem:$0x1A780] =	vst v63  }
0x22b: {  	s21 =	sadd.s32 $0x380, s18  }
0x22c: {  	[hbm4b:s21+s2] =	stream.linear.scatter [tilespmem:s31], [sflag:$0x4], $0x80, $0x38;
	[tilespmem:$0x1A780] =	vst v63  }
0x22d: {  	s24 =	sadd.s32 $0x400, s18  }
0x22e: {  	[hbm4b:s24+s2] =	stream.linear.scatter [tilespmem:s10], [sflag:$0x4], $0x80, $0x38;
	[tilespmem:$0x1A780] =	vst v63  }
0x22f: {  	s20 =	sadd.s32 $0x480, s18  }
0x230: {  	[hbm4b:s20+s2] =	stream.linear.scatter [tilespmem:s11], [sflag:$0x4], $0x80, $0x38;
	[tilespmem:$0x1A780] =	vst v63  }
0x231: {  	s21 =	sadd.s32 $0x500, s18  }
0x232: {  	[hbm4b:s21+s2] =	stream.linear.scatter [tilespmem:s12], [sflag:$0x4], $0x80, $0x38;
	[tilespmem:$0x1A780] =	vst v63  }
0x233: {  	s24 =	sadd.s32 $0x580, s18  }
0x234: {  	[hbm4b:s24+s2] =	stream.linear.scatter [tilespmem:s13], [sflag:$0x4], $0x80, $0x38;
	[tilespmem:$0x1A780] =	vst v63  }
0x235: {  	s17 =	sadd.s32 $0x1, s17;
	s20 =	sadd.s32 $0x600, s18  }
0x236: {  	[hbm4b:s20+s2] =	stream.linear.scatter [tilespmem:s14], [sflag:$0x4], $0x80, $0x38;
	[tilespmem:$0x1A780] =	vst v63  }
0x237: {  	p0 =	sne.s32 s17, $0x8;
	s21 =	sadd.s32 $0x680, s18  }
0x238: {  	[hbm4b:s21+s2] =	stream.linear.scatter [tilespmem:s15], [sflag:$0x4], $0x80, $0x38;
	[tilespmem:$0x1A780] =	vst v63  }
.Ltmp11:
0x239: {  	_ = 	snop;
	(pc) =	sbr.rel @p0 .LBB2_12-.Ltmp11, $4  }
0x23a: {  	s24 =	sadd.s32 $0x700, s18  }
0x23b: {  	[hbm4b:s24+s2] =	stream.linear.scatter [tilespmem:s16], [sflag:$0x4], $0x80, $0x38;
	[tilespmem:$0x1A780] =	vst v63  }
0x23c: {  	s18 =	sadd.s32 $0x780, s18  }
0x23d: {  	[hbm4b:s18+s2] =	stream.linear.scatter [tilespmem:s7], [sflag:$0x4], $0x80, $0x38;
	[tilespmem:$0x1A780] =	vst v63  }
0x23e: {  	s17 =	simm.s32 $0x3  }
0x23f: {  	_ =	swait.ge [sflag:s17], $0x800  }
0x240: {  	[sflag:s17] =	ssyncset.done $0x0  }
0x241: {  	[sflag:s17] =	ssyncadd.s32 $0xFFFFF800  }
0x242: {  	_ =	swait.ge [sflag:s29], $0x800  }
0x243: {  	s18 =	rddreg [dreg:$0x18]  }
0x244: {  	s24 =	rddreg [dreg:$0x8];
	s18 =	sadd.s32 $0x1, s18  }
0x245: {  	p0 =	sne.s32 s18, s24  }
.Ltmp12:
0x246: {  	_ = 	snop;
	(pc) =	sbr.rel @p0 .LBB2_1-.Ltmp12, $3  }
0x247: {  	_ =	sdelay $0x1  }
0x248: {  	[sflag:s29] =	ssyncset.done $0x0  }
0x249: {  	[sflag:s29] =	ssyncadd.s32 $0xFFFFF800  }
0x24a: {  	_ =	sfence.sel $0x180000  }
0x24b: {  	[bflag:$0x0] =	sbarrier.arrive $0xFFFF  }
0x24c: {  	_ =	strace $0x90000047  }
0x24d: {  	s0 =	stileid.u32;
	[bflag:$0x2] =	sbarrier.arrive $0xFFFF  }
0x24e: {  	p0 =	sne.s32 s0, $0x0;
	s0 =	rddreg [dreg:$0x3]  }
0x24f: {  	s0 =	sadd.s32 @!p0 $0x100000, s0  }
0x250: {  	[sflag:s0] =	ssyncadd.tile.s32 @!p0 $0x1;
	_ =	shalt  }
.Lfunc_end2:
_tile_overlayer_lowered:
.L_overlay_start_2:
0x251: {  	(tag) =	ssettag $0x2  }
0x252: {  	s0 =	rddreg [dreg:$0x0];
	s2 =	stileid.u32  }
0x253: {  	s1 =	rddreg [dreg:$0x1];
	p0 =	sne.s32 s2, $0x0  }
0x254: {  	s3 =	rddreg [dreg:$0x2];
	[bflag:$0x3] =	sbarrier.arrive $0xFFFF;
	s2 =	simm.s32 @!p0 $0x1C05  }
0x255: {  	[timem:s3], [sflag:s2] =	dma.local @!p0 [hbm:s0], s1  }
0x256: {  	s0 =	simm.s32 @!p0 $0x5  }
0x257: {  	_ =	swait.ge @!p0 [sflag:s0], s1  }
0x258: {  	s1 =	ssub.s32 @!p0 $0x0, s1;
	[sflag:s0] =	ssyncset.done @!p0 $0x0  }
0x259: {  	[sflag:s0] =	ssyncadd.s32 @!p0 s1  }
0x25a: {  	[bflag:$0x3] =	sbarrier.arrive $0xFFFF  }
0x25b: {  	_ =	shalt  }

</sc_bundles>
